<compile_context>
chip_gen: v7x
topology: tpu7x:2x2x1
jax: 0.10.2.dev20260603
libtpu: 0.0.44.dev20260713+nightly
codegen_flags: <defaults>
</compile_context>

<pallas_src>
import functools

import jax
import jax.numpy as jnp
from jax import lax
from jax.experimental import pallas as pl
from jax.experimental.pallas import tpu as pltpu
from jax.experimental.pallas import tpu_sc as plsc

NW = 32
C = 128
PAIR = 1
NBUF = 7
G = 5
IDX_HEAD = 8


@functools.lru_cache(maxsize=None)
def _build(h, b, d):
    nch = h
    npair = nch // PAIR
    mesh = plsc.VectorSubcoreMesh(core_axis_name="c", subcore_axis_name="s")

    @functools.partial(
        pl.kernel,
        out_type=jax.ShapeDtypeStruct((h, b, d), jnp.float32),
        mesh=mesh,
        scratch_types=[
            pltpu.VMEM((nch, C), jnp.int32),
            pltpu.VMEM((NBUF, PAIR, C, d), jnp.float32),
            pltpu.SemaphoreType.DMA((NBUF,)),
            pltpu.SemaphoreType.DMA((NBUF,)),
            pltpu.SemaphoreType.DMA,
        ],
    )
    def gather_kernel(idx_hbm, table_hbm, out_hbm, idx_v, rows_v, gsem, osem,
                      isem):
        wid = lax.axis_index("s") * 2 + lax.axis_index("c")
        col0 = wid * C
        pltpu.sync_copy(idx_hbm.at[pl.ds(0, IDX_HEAD), pl.ds(col0, C)],
                        idx_v.at[pl.ds(0, IDX_HEAD)])
        idx_tail = pltpu.make_async_copy(
            idx_hbm.at[pl.ds(IDX_HEAD, nch - IDX_HEAD), pl.ds(col0, C)],
            idx_v.at[pl.ds(IDX_HEAD, nch - IDX_HEAD)], isem)
        idx_tail.start()

        def gather_start(p, buf):
            for j in range(PAIR):
                pltpu.async_copy(table_hbm.at[idx_v.at[p * PAIR + j]],
                                 rows_v.at[buf, j], gsem.at[buf])

        def gather_wait(p, buf):
            for j in range(PAIR):
                pltpu.make_async_copy(table_hbm.at[idx_v.at[p * PAIR + j]],
                                      rows_v.at[buf, j], gsem.at[buf]).wait()

        def out_ref(p, buf):
            return rows_v.at[buf], out_hbm.at[pl.ds(p * PAIR, PAIR),
                                              pl.ds(col0, C)]

        def store_start(p, buf):
            src, dst = out_ref(p, buf)
            pltpu.async_copy(src, dst, osem.at[buf])

        def store_wait(p, buf):
            src, dst = out_ref(p, buf)
            pltpu.make_async_copy(src, dst, osem.at[buf]).wait()

        def slot(p, buf, wait_store, new_gather):
            gather_wait(p, buf)
            store_start(p, buf)
            if new_gather:
                lbuf = (buf + G) % NBUF
                if wait_store:
                    store_wait(p + G - NBUF, lbuf)
                gather_start(p + G, lbuf)

        for p in range(G):
            gather_start(p, p)

        for p in range(NBUF - G):
            slot(p, p, False, True)

        idx_tail.wait()

        n_steady = ((npair - G) - (NBUF - G)) // NBUF * NBUF

        @pl.loop(NBUF - G, NBUF - G + n_steady, step=NBUF)
        def _(p0):
            for i in range(NBUF):
                slot(p0 + i, (NBUF - G + i) % NBUF, True, True)

        for p in range(NBUF - G + n_steady, npair - G):
            slot(p, p % NBUF, True, True)

        for p in range(npair - G, npair):
            slot(p, p % NBUF, False, False)
        for p in range(npair - NBUF, npair):
            store_wait(p, p % NBUF)

    return gather_kernel


def kernel(x, table):
    b, h = x.shape
    d = table.shape[1]
    assert h % PAIR == 0 and b == NW * C
    out = _build(h, b, d)(x.T, table)
    return out.transpose(1, 0, 2)

# --- scband reference (transcript-rebuilt; emitter-appended) ---
"""Pipeline reference for scband-semantic-embed-net-33174327394994 (READ-ONLY COPY).

The authoritative reference and input builder live on the scoring server;
editing this copy changes nothing except your own understanding.
"""

import jax, jax.numpy as jnp
import numpy as np

VOCAB = 100000
EMBED_DIM = 128
BATCH = 4096
HIST = 50


def setup_inputs(seed: int = 0) -> dict:
    key = jax.random.key(seed)
    k_idx, k_tab = jax.random.split(key)
    x = jax.random.randint(k_idx, (BATCH, HIST), 0, VOCAB, dtype=jnp.int64 if jax.config.jax_enable_x64 else jnp.int32)
    # pretrained embedding vectors (field_config.vocab.vectors)
    table = jax.random.normal(k_tab, (VOCAB, EMBED_DIM), dtype=jnp.float32)
    return {"x": x, "table": table}


def reference(x, table):
    # nn.Embedding.from_pretrained -> gather rows of table
    # nn.Dropout in eval mode is identity
    out = jnp.take(table, x, axis=0)
    return out

if __name__ == "__main__":
    import jax
    _d = setup_inputs()
    print(jax.jit(kernel)(*tuple(_d.values())))

</pallas_src>

<mosaic_0001>
#map = affine_map<(d0, d1) -> (0, 0)>
#map1 = affine_map<(d0, d1) -> (0, 0, 0)>
module attributes {stable_mosaic.version = 14 : i64} {
  func.func @gather_kernel(%arg0: i32, %arg1: i32, %arg2: memref<50x4096xi32, #tpu.memory_space<hbm>>, %arg3: memref<100000x128xf32, #tpu.memory_space<hbm>>, %arg4: memref<50x4096x128xf32, #tpu.memory_space<hbm>>, %arg5: memref<50x128xi32, #tpu.memory_space<vmem>>, %arg6: memref<7x1x128x128xf32, #tpu.memory_space<vmem>>, %arg7: memref<7x!tpu.dma_semaphore, #tpu.memory_space<semaphore_mem>>, %arg8: memref<7x!tpu.dma_semaphore, #tpu.memory_space<semaphore_mem>>, %arg9: memref<!tpu.dma_semaphore, #tpu.memory_space<semaphore_mem>>) attributes {dimension_semantics = [#tpu.dimension_semantics<core_parallel>, #tpu.dimension_semantics<subcore_parallel>], iteration_bounds = array<i64: 2, 16>, scalar_prefetch = 0 : i64, scratch_operands = 5 : i64, tpu.core_type = #tpu.core_type<sc_vector_subcore>, window_params = [{transform_indices = #map}, {transform_indices = #map}, {transform_indices = #map1}]} {
    %mul3A = arith.constant 2 : i32
    %mul3A_0 = arith.muli %arg1, %mul3A : i32
    %add3A = arith.addi %mul3A_0, %arg0 : i32
    %mul3A_1 = arith.constant 128 : i32
    %mul3A_2 = arith.muli %add3A, %mul3A_1 : i32
    "tpu.region"() ({
      %run_scoped3A = tpu.sem_alloc : memref<!tpu.dma_semaphore, #tpu.memory_space<semaphore_mem>>
      %dma_start3A_601 = arith.constant 0 : i32
      %dma_start3A_602 = arith.constant 0 : i32
      %dma_start3A_603 = tpu.memref_slice %arg5[%dma_start3A_601, %dma_start3A_602] : memref<50x128xi32, #tpu.memory_space<vmem>> -> memref<8x128xi32, #tpu.memory_space<vmem>>
      %dma_start3A_604 = arith.constant 0 : i32
      %dma_start3A_605 = tpu.memref_slice %arg2[%dma_start3A_604, %mul3A_2] : memref<50x4096xi32, #tpu.memory_space<hbm>> -> memref<8x128xi32, #tpu.memory_space<hbm>>
      %dma_start3A_606 = arith.constant 0 : i32
      %dma_start3A_607 = arith.constant 0 : i32
      %dma_start3A_608 = tpu.memref_slice %arg5[%dma_start3A_606, %dma_start3A_607] : memref<50x128xi32, #tpu.memory_space<vmem>> -> memref<8x128xi32, #tpu.memory_space<vmem>>
      %dma_start3A_609 = arith.constant 0 : i32
      %dma_start3A_610 = tpu.memref_slice %arg2[%dma_start3A_609, %mul3A_2] : memref<50x4096xi32, #tpu.memory_space<hbm>> -> memref<8x128xi32, #tpu.memory_space<hbm>>
      tpu.enqueue_dma source(%dma_start3A_610 : memref<8x128xi32, #tpu.memory_space<hbm>>) target(%dma_start3A_608 : memref<8x128xi32, #tpu.memory_space<vmem>>) target_semaphore(%run_scoped3A : memref<!tpu.dma_semaphore, #tpu.memory_space<semaphore_mem>>)
      %dma_wait3A_611 = arith.constant 0 : i32
      %dma_wait3A_612 = arith.constant 0 : i32
      %dma_wait3A_613 = tpu.memref_slice %arg5[%dma_wait3A_611, %dma_wait3A_612] : memref<50x128xi32, #tpu.memory_space<vmem>> -> memref<8x128xi32, #tpu.memory_space<vmem>>
      %dma_wait3A_614 = arith.constant 0 : i32
      %dma_wait3A_615 = tpu.memref_slice %arg2[%dma_wait3A_614, %mul3A_2] : memref<50x4096xi32, #tpu.memory_space<hbm>> -> memref<8x128xi32, #tpu.memory_space<hbm>>
      %dma_wait3A_616 = arith.constant 0 : i32
      %dma_wait3A_617 = arith.constant 0 : i32
      %dma_wait3A_618 = tpu.memref_slice %arg5[%dma_wait3A_616, %dma_wait3A_617] : memref<50x128xi32, #tpu.memory_space<vmem>> -> memref<8x128xi32, #tpu.memory_space<vmem>>
      %dma_wait3A_619 = arith.constant 0 : i32
      %dma_wait3A_620 = tpu.memref_slice %arg2[%dma_wait3A_619, %mul3A_2] : memref<50x4096xi32, #tpu.memory_space<hbm>> -> memref<8x128xi32, #tpu.memory_space<hbm>>
      tpu.wait_dma2 semaphore(%run_scoped3A : memref<!tpu.dma_semaphore, #tpu.memory_space<semaphore_mem>>) src(%dma_wait3A_620 : memref<8x128xi32, #tpu.memory_space<hbm>>) dst(%dma_wait3A_618 : memref<8x128xi32, #tpu.memory_space<vmem>>)
      tpu.yield
    }) : () -> ()
    %dma_start3A = arith.constant 8 : i32
    %dma_start3A_3 = arith.constant 0 : i32
    %dma_start3A_4 = tpu.memref_slice %arg5[%dma_start3A, %dma_start3A_3] : memref<50x128xi32, #tpu.memory_space<vmem>> -> memref<42x128xi32, #tpu.memory_space<vmem>>
    %dma_start3A_5 = arith.constant 8 : i32
    %dma_start3A_6 = tpu.memref_slice %arg2[%dma_start3A_5, %mul3A_2] : memref<50x4096xi32, #tpu.memory_space<hbm>> -> memref<42x128xi32, #tpu.memory_space<hbm>>
    %dma_start3A_7 = arith.constant 8 : i32
    %dma_start3A_8 = arith.constant 0 : i32
    %dma_start3A_9 = tpu.memref_slice %arg5[%dma_start3A_7, %dma_start3A_8] : memref<50x128xi32, #tpu.memory_space<vmem>> -> memref<42x128xi32, #tpu.memory_space<vmem>>
    %dma_start3A_10 = arith.constant 8 : i32
    %dma_start3A_11 = tpu.memref_slice %arg2[%dma_start3A_10, %mul3A_2] : memref<50x4096xi32, #tpu.memory_space<hbm>> -> memref<42x128xi32, #tpu.memory_space<hbm>>
    tpu.enqueue_dma source(%dma_start3A_11 : memref<42x128xi32, #tpu.memory_space<hbm>>) target(%dma_start3A_9 : memref<42x128xi32, #tpu.memory_space<vmem>>) target_semaphore(%arg9 : memref<!tpu.dma_semaphore, #tpu.memory_space<semaphore_mem>>)
    %dma_start3A_12 = arith.constant 0 : i32
    %dma_start3A_13 = arith.constant 0 : i32
    %dma_start3A_14 = arith.constant 0 : i32
    %dma_start3A_15 = arith.constant 0 : i32
    %dma_start3A_16 = arith.constant 0 : i32
    %dma_start3A_17 = arith.constant 0 : i32
    %dma_start3A_18 = tpu.memref_slice %arg6[%dma_start3A_13, %dma_start3A_14, %dma_start3A_16, %dma_start3A_17] : memref<7x1x128x128xf32, #tpu.memory_space<vmem>> -> memref<1x1x128x128xf32, #tpu.memory_space<vmem>>
    %dma_start3A_19 = tpu.memref_squeeze %dma_start3A_18 : memref<1x1x128x128xf32, #tpu.memory_space<vmem>> -> memref<128x128xf32, #tpu.memory_space<vmem>>
    %dma_start3A_20 = arith.constant 0 : i32
    %dma_start3A_21 = tpu.memref_slice %arg5[%dma_start3A_12, %dma_start3A_20] : memref<50x128xi32, #tpu.memory_space<vmem>> -> memref<1x128xi32, #tpu.memory_space<vmem>>
    %dma_start3A_22 = tpu.memref_squeeze %dma_start3A_21 : memref<1x128xi32, #tpu.memory_space<vmem>> -> memref<128xi32, #tpu.memory_space<vmem>>
    %dma_start3A_23 = arith.constant 0 : i32
    %dma_start3A_24 = arith.constant 0 : i32
    %dma_start3A_25 = tpu.memref_slice %arg3[%dma_start3A_23, %dma_start3A_24] : memref<100000x128xf32, #tpu.memory_space<hbm>> -> memref<100000x128xf32, #tpu.memory_space<hbm>>
    %dma_start3A_26 = tpu.memref_slice %arg7[%dma_start3A_15] : memref<7x!tpu.dma_semaphore, #tpu.memory_space<semaphore_mem>> -> memref<1x!tpu.dma_semaphore, #tpu.memory_space<semaphore_mem>>
    %dma_start3A_27 = tpu.memref_squeeze %dma_start3A_26 : memref<1x!tpu.dma_semaphore, #tpu.memory_space<semaphore_mem>> -> memref<!tpu.dma_semaphore, #tpu.memory_space<semaphore_mem>>
    tpu.enqueue_indirect_dma source(%dma_start3A_25 : memref<100000x128xf32, #tpu.memory_space<hbm>>) target(%dma_start3A_19 : memref<128x128xf32, #tpu.memory_space<vmem>>) offsets(%dma_start3A_22 : memref<128xi32, #tpu.memory_space<vmem>>) semaphore(%dma_start3A_27 : memref<!tpu.dma_semaphore, #tpu.memory_space<semaphore_mem>>)
    %dma_start3A_28 = arith.constant 1 : i32
    %dma_start3A_29 = arith.constant 1 : i32
    %dma_start3A_30 = arith.constant 0 : i32
    %dma_start3A_31 = arith.constant 1 : i32
    %dma_start3A_32 = arith.constant 0 : i32
    %dma_start3A_33 = arith.constant 0 : i32
    %dma_start3A_34 = tpu.memref_slice %arg6[%dma_start3A_29, %dma_start3A_30, %dma_start3A_32, %dma_start3A_33] : memref<7x1x128x128xf32, #tpu.memory_space<vmem>> -> memref<1x1x128x128xf32, #tpu.memory_space<vmem>>
    %dma_start3A_35 = tpu.memref_squeeze %dma_start3A_34 : memref<1x1x128x128xf32, #tpu.memory_space<vmem>> -> memref<128x128xf32, #tpu.memory_space<vmem>>
    %dma_start3A_36 = arith.constant 0 : i32
    %dma_start3A_37 = tpu.memref_slice %arg5[%dma_start3A_28, %dma_start3A_36] : memref<50x128xi32, #tpu.memory_space<vmem>> -> memref<1x128xi32, #tpu.memory_space<vmem>>
    %dma_start3A_38 = tpu.memref_squeeze %dma_start3A_37 : memref<1x128xi32, #tpu.memory_space<vmem>> -> memref<128xi32, #tpu.memory_space<vmem>>
    %dma_start3A_39 = arith.constant 0 : i32
    %dma_start3A_40 = arith.constant 0 : i32
    %dma_start3A_41 = tpu.memref_slice %arg3[%dma_start3A_39, %dma_start3A_40] : memref<100000x128xf32, #tpu.memory_space<hbm>> -> memref<100000x128xf32, #tpu.memory_space<hbm>>
    %dma_start3A_42 = tpu.memref_slice %arg7[%dma_start3A_31] : memref<7x!tpu.dma_semaphore, #tpu.memory_space<semaphore_mem>> -> memref<1x!tpu.dma_semaphore, #tpu.memory_space<semaphore_mem>>
    %dma_start3A_43 = tpu.memref_squeeze %dma_start3A_42 : memref<1x!tpu.dma_semaphore, #tpu.memory_space<semaphore_mem>> -> memref<!tpu.dma_semaphore, #tpu.memory_space<semaphore_mem>>
    tpu.enqueue_indirect_dma source(%dma_start3A_41 : memref<100000x128xf32, #tpu.memory_space<hbm>>) target(%dma_start3A_35 : memref<128x128xf32, #tpu.memory_space<vmem>>) offsets(%dma_start3A_38 : memref<128xi32, #tpu.memory_space<vmem>>) semaphore(%dma_start3A_43 : memref<!tpu.dma_semaphore, #tpu.memory_space<semaphore_mem>>)
    %dma_start3A_44 = arith.constant 2 : i32
    %dma_start3A_45 = arith.constant 2 : i32
    %dma_start3A_46 = arith.constant 0 : i32
    %dma_start3A_47 = arith.constant 2 : i32
    %dma_start3A_48 = arith.constant 0 : i32
    %dma_start3A_49 = arith.constant 0 : i32
    %dma_start3A_50 = tpu.memref_slice %arg6[%dma_start3A_45, %dma_start3A_46, %dma_start3A_48, %dma_start3A_49] : memref<7x1x128x128xf32, #tpu.memory_space<vmem>> -> memref<1x1x128x128xf32, #tpu.memory_space<vmem>>
    %dma_start3A_51 = tpu.memref_squeeze %dma_start3A_50 : memref<1x1x128x128xf32, #tpu.memory_space<vmem>> -> memref<128x128xf32, #tpu.memory_space<vmem>>
    %dma_start3A_52 = arith.constant 0 : i32
    %dma_start3A_53 = tpu.memref_slice %arg5[%dma_start3A_44, %dma_start3A_52] : memref<50x128xi32, #tpu.memory_space<vmem>> -> memref<1x128xi32, #tpu.memory_space<vmem>>
    %dma_start3A_54 = tpu.memref_squeeze %dma_start3A_53 : memref<1x128xi32, #tpu.memory_space<vmem>> -> memref<128xi32, #tpu.memory_space<vmem>>
    %dma_start3A_55 = arith.constant 0 : i32
    %dma_start3A_56 = arith.constant 0 : i32
    %dma_start3A_57 = tpu.memref_slice %arg3[%dma_start3A_55, %dma_start3A_56] : memref<100000x128xf32, #tpu.memory_space<hbm>> -> memref<100000x128xf32, #tpu.memory_space<hbm>>
    %dma_start3A_58 = tpu.memref_slice %arg7[%dma_start3A_47] : memref<7x!tpu.dma_semaphore, #tpu.memory_space<semaphore_mem>> -> memref<1x!tpu.dma_semaphore, #tpu.memory_space<semaphore_mem>>
    %dma_start3A_59 = tpu.memref_squeeze %dma_start3A_58 : memref<1x!tpu.dma_semaphore, #tpu.memory_space<semaphore_mem>> -> memref<!tpu.dma_semaphore, #tpu.memory_space<semaphore_mem>>
    tpu.enqueue_indirect_dma source(%dma_start3A_57 : memref<100000x128xf32, #tpu.memory_space<hbm>>) target(%dma_start3A_51 : memref<128x128xf32, #tpu.memory_space<vmem>>) offsets(%dma_start3A_54 : memref<128xi32, #tpu.memory_space<vmem>>) semaphore(%dma_start3A_59 : memref<!tpu.dma_semaphore, #tpu.memory_space<semaphore_mem>>)
    %dma_start3A_60 = arith.constant 3 : i32
    %dma_start3A_61 = arith.constant 3 : i32
    %dma_start3A_62 = arith.constant 0 : i32
    %dma_start3A_63 = arith.constant 3 : i32
    %dma_start3A_64 = arith.constant 0 : i32
    %dma_start3A_65 = arith.constant 0 : i32
    %dma_start3A_66 = tpu.memref_slice %arg6[%dma_start3A_61, %dma_start3A_62, %dma_start3A_64, %dma_start3A_65] : memref<7x1x128x128xf32, #tpu.memory_space<vmem>> -> memref<1x1x128x128xf32, #tpu.memory_space<vmem>>
    %dma_start3A_67 = tpu.memref_squeeze %dma_start3A_66 : memref<1x1x128x128xf32, #tpu.memory_space<vmem>> -> memref<128x128xf32, #tpu.memory_space<vmem>>
    %dma_start3A_68 = arith.constant 0 : i32
    %dma_start3A_69 = tpu.memref_slice %arg5[%dma_start3A_60, %dma_start3A_68] : memref<50x128xi32, #tpu.memory_space<vmem>> -> memref<1x128xi32, #tpu.memory_space<vmem>>
    %dma_start3A_70 = tpu.memref_squeeze %dma_start3A_69 : memref<1x128xi32, #tpu.memory_space<vmem>> -> memref<128xi32, #tpu.memory_space<vmem>>
    %dma_start3A_71 = arith.constant 0 : i32
    %dma_start3A_72 = arith.constant 0 : i32
    %dma_start3A_73 = tpu.memref_slice %arg3[%dma_start3A_71, %dma_start3A_72] : memref<100000x128xf32, #tpu.memory_space<hbm>> -> memref<100000x128xf32, #tpu.memory_space<hbm>>
    %dma_start3A_74 = tpu.memref_slice %arg7[%dma_start3A_63] : memref<7x!tpu.dma_semaphore, #tpu.memory_space<semaphore_mem>> -> memref<1x!tpu.dma_semaphore, #tpu.memory_space<semaphore_mem>>
    %dma_start3A_75 = tpu.memref_squeeze %dma_start3A_74 : memref<1x!tpu.dma_semaphore, #tpu.memory_space<semaphore_mem>> -> memref<!tpu.dma_semaphore, #tpu.memory_space<semaphore_mem>>
    tpu.enqueue_indirect_dma source(%dma_start3A_73 : memref<100000x128xf32, #tpu.memory_space<hbm>>) target(%dma_start3A_67 : memref<128x128xf32, #tpu.memory_space<vmem>>) offsets(%dma_start3A_70 : memref<128xi32, #tpu.memory_space<vmem>>) semaphore(%dma_start3A_75 : memref<!tpu.dma_semaphore, #tpu.memory_space<semaphore_mem>>)
    %dma_start3A_76 = arith.constant 4 : i32
    %dma_start3A_77 = arith.constant 4 : i32
    %dma_start3A_78 = arith.constant 0 : i32
    %dma_start3A_79 = arith.constant 4 : i32
    %dma_start3A_80 = arith.constant 0 : i32
    %dma_start3A_81 = arith.constant 0 : i32
    %dma_start3A_82 = tpu.memref_slice %arg6[%dma_start3A_77, %dma_start3A_78, %dma_start3A_80, %dma_start3A_81] : memref<7x1x128x128xf32, #tpu.memory_space<vmem>> -> memref<1x1x128x128xf32, #tpu.memory_space<vmem>>
    %dma_start3A_83 = tpu.memref_squeeze %dma_start3A_82 : memref<1x1x128x128xf32, #tpu.memory_space<vmem>> -> memref<128x128xf32, #tpu.memory_space<vmem>>
    %dma_start3A_84 = arith.constant 0 : i32
    %dma_start3A_85 = tpu.memref_slice %arg5[%dma_start3A_76, %dma_start3A_84] : memref<50x128xi32, #tpu.memory_space<vmem>> -> memref<1x128xi32, #tpu.memory_space<vmem>>
    %dma_start3A_86 = tpu.memref_squeeze %dma_start3A_85 : memref<1x128xi32, #tpu.memory_space<vmem>> -> memref<128xi32, #tpu.memory_space<vmem>>
    %dma_start3A_87 = arith.constant 0 : i32
    %dma_start3A_88 = arith.constant 0 : i32
    %dma_start3A_89 = tpu.memref_slice %arg3[%dma_start3A_87, %dma_start3A_88] : memref<100000x128xf32, #tpu.memory_space<hbm>> -> memref<100000x128xf32, #tpu.memory_space<hbm>>
    %dma_start3A_90 = tpu.memref_slice %arg7[%dma_start3A_79] : memref<7x!tpu.dma_semaphore, #tpu.memory_space<semaphore_mem>> -> memref<1x!tpu.dma_semaphore, #tpu.memory_space<semaphore_mem>>
    %dma_start3A_91 = tpu.memref_squeeze %dma_start3A_90 : memref<1x!tpu.dma_semaphore, #tpu.memory_space<semaphore_mem>> -> memref<!tpu.dma_semaphore, #tpu.memory_space<semaphore_mem>>
    tpu.enqueue_indirect_dma source(%dma_start3A_89 : memref<100000x128xf32, #tpu.memory_space<hbm>>) target(%dma_start3A_83 : memref<128x128xf32, #tpu.memory_space<vmem>>) offsets(%dma_start3A_86 : memref<128xi32, #tpu.memory_space<vmem>>) semaphore(%dma_start3A_91 : memref<!tpu.dma_semaphore, #tpu.memory_space<semaphore_mem>>)
    %dma_wait3A = arith.constant 0 : i32
    %dma_wait3A_92 = arith.constant 0 : i32
    %dma_wait3A_93 = arith.constant 0 : i32
    %dma_wait3A_94 = arith.constant 0 : i32
    %dma_wait3A_95 = arith.constant 0 : i32
    %dma_wait3A_96 = arith.constant 0 : i32
    %dma_wait3A_97 = tpu.memref_slice %arg6[%dma_wait3A_92, %dma_wait3A_93, %dma_wait3A_95, %dma_wait3A_96] : memref<7x1x128x128xf32, #tpu.memory_space<vmem>> -> memref<1x1x128x128xf32, #tpu.memory_space<vmem>>
    %dma_wait3A_98 = tpu.memref_squeeze %dma_wait3A_97 : memref<1x1x128x128xf32, #tpu.memory_space<vmem>> -> memref<128x128xf32, #tpu.memory_space<vmem>>
    %dma_wait3A_99 = arith.constant 0 : i32
    %dma_wait3A_100 = tpu.memref_slice %arg5[%dma_wait3A, %dma_wait3A_99] : memref<50x128xi32, #tpu.memory_space<vmem>> -> memref<1x128xi32, #tpu.memory_space<vmem>>
    %dma_wait3A_101 = tpu.memref_squeeze %dma_wait3A_100 : memref<1x128xi32, #tpu.memory_space<vmem>> -> memref<128xi32, #tpu.memory_space<vmem>>
    %dma_wait3A_102 = arith.constant 0 : i32
    %dma_wait3A_103 = arith.constant 0 : i32
    %dma_wait3A_104 = tpu.memref_slice %arg3[%dma_wait3A_102, %dma_wait3A_103] : memref<100000x128xf32, #tpu.memory_space<hbm>> -> memref<100000x128xf32, #tpu.memory_space<hbm>>
    %dma_wait3A_105 = tpu.memref_slice %arg7[%dma_wait3A_94] : memref<7x!tpu.dma_semaphore, #tpu.memory_space<semaphore_mem>> -> memref<1x!tpu.dma_semaphore, #tpu.memory_space<semaphore_mem>>
    %dma_wait3A_106 = tpu.memref_squeeze %dma_wait3A_105 : memref<1x!tpu.dma_semaphore, #tpu.memory_space<semaphore_mem>> -> memref<!tpu.dma_semaphore, #tpu.memory_space<semaphore_mem>>
    tpu.wait_indirect_dma semaphore(%dma_wait3A_106 : memref<!tpu.dma_semaphore, #tpu.memory_space<semaphore_mem>>) src(%dma_wait3A_104 : memref<100000x128xf32, #tpu.memory_space<hbm>>) dst(%dma_wait3A_98 : memref<128x128xf32, #tpu.memory_space<vmem>>)
    %dma_start3A_107 = arith.constant 0 : i32
    %dma_start3A_108 = arith.constant 0 : i32
    %dma_start3A_109 = arith.constant 0 : i32
    %dma_start3A_110 = arith.constant 0 : i32
    %dma_start3A_111 = arith.constant 0 : i32
    %dma_start3A_112 = tpu.memref_slice %arg6[%dma_start3A_107, %dma_start3A_109, %dma_start3A_110, %dma_start3A_111] : memref<7x1x128x128xf32, #tpu.memory_space<vmem>> -> memref<1x1x128x128xf32, #tpu.memory_space<vmem>>
    %dma_start3A_113 = tpu.memref_squeeze %dma_start3A_112 : memref<1x1x128x128xf32, #tpu.memory_space<vmem>> -> memref<1x128x128xf32, #tpu.memory_space<vmem>>
    %dma_start3A_114 = arith.constant 0 : i32
    %dma_start3A_115 = arith.constant 0 : i32
    %dma_start3A_116 = tpu.memref_slice %arg4[%dma_start3A_114, %mul3A_2, %dma_start3A_115] : memref<50x4096x128xf32, #tpu.memory_space<hbm>> -> memref<1x128x128xf32, #tpu.memory_space<hbm>>
    %dma_start3A_117 = tpu.memref_slice %arg8[%dma_start3A_108] : memref<7x!tpu.dma_semaphore, #tpu.memory_space<semaphore_mem>> -> memref<1x!tpu.dma_semaphore, #tpu.memory_space<semaphore_mem>>
    %dma_start3A_118 = tpu.memref_squeeze %dma_start3A_117 : memref<1x!tpu.dma_semaphore, #tpu.memory_space<semaphore_mem>> -> memref<!tpu.dma_semaphore, #tpu.memory_space<semaphore_mem>>
    %dma_start3A_119 = arith.constant 0 : i32
    %dma_start3A_120 = arith.constant 0 : i32
    %dma_start3A_121 = tpu.memref_slice %arg4[%dma_start3A_119, %mul3A_2, %dma_start3A_120] : memref<50x4096x128xf32, #tpu.memory_space<hbm>> -> memref<1x128x128xf32, #tpu.memory_space<hbm>>
    %dma_start3A_122 = arith.constant 0 : i32
    %dma_start3A_123 = arith.constant 0 : i32
    %dma_start3A_124 = arith.constant 0 : i32
    %dma_start3A_125 = tpu.memref_slice %arg6[%dma_start3A_107, %dma_start3A_122, %dma_start3A_123, %dma_start3A_124] : memref<7x1x128x128xf32, #tpu.memory_space<vmem>> -> memref<1x1x128x128xf32, #tpu.memory_space<vmem>>
    %dma_start3A_126 = tpu.memref_squeeze %dma_start3A_125 : memref<1x1x128x128xf32, #tpu.memory_space<vmem>> -> memref<1x128x128xf32, #tpu.memory_space<vmem>>
    tpu.enqueue_dma source(%dma_start3A_126 : memref<1x128x128xf32, #tpu.memory_space<vmem>>) target(%dma_start3A_121 : memref<1x128x128xf32, #tpu.memory_space<hbm>>) target_semaphore(%dma_start3A_118 : memref<!tpu.dma_semaphore, #tpu.memory_space<semaphore_mem>>)
    %dma_start3A_127 = arith.constant 5 : i32
    %dma_start3A_128 = arith.constant 5 : i32
    %dma_start3A_129 = arith.constant 0 : i32
    %dma_start3A_130 = arith.constant 5 : i32
    %dma_start3A_131 = arith.constant 0 : i32
    %dma_start3A_132 = arith.constant 0 : i32
    %dma_start3A_133 = tpu.memref_slice %arg6[%dma_start3A_128, %dma_start3A_129, %dma_start3A_131, %dma_start3A_132] : memref<7x1x128x128xf32, #tpu.memory_space<vmem>> -> memref<1x1x128x128xf32, #tpu.memory_space<vmem>>
    %dma_start3A_134 = tpu.memref_squeeze %dma_start3A_133 : memref<1x1x128x128xf32, #tpu.memory_space<vmem>> -> memref<128x128xf32, #tpu.memory_space<vmem>>
    %dma_start3A_135 = arith.constant 0 : i32
    %dma_start3A_136 = tpu.memref_slice %arg5[%dma_start3A_127, %dma_start3A_135] : memref<50x128xi32, #tpu.memory_space<vmem>> -> memref<1x128xi32, #tpu.memory_space<vmem>>
    %dma_start3A_137 = tpu.memref_squeeze %dma_start3A_136 : memref<1x128xi32, #tpu.memory_space<vmem>> -> memref<128xi32, #tpu.memory_space<vmem>>
    %dma_start3A_138 = arith.constant 0 : i32
    %dma_start3A_139 = arith.constant 0 : i32
    %dma_start3A_140 = tpu.memref_slice %arg3[%dma_start3A_138, %dma_start3A_139] : memref<100000x128xf32, #tpu.memory_space<hbm>> -> memref<100000x128xf32, #tpu.memory_space<hbm>>
    %dma_start3A_141 = tpu.memref_slice %arg7[%dma_start3A_130] : memref<7x!tpu.dma_semaphore, #tpu.memory_space<semaphore_mem>> -> memref<1x!tpu.dma_semaphore, #tpu.memory_space<semaphore_mem>>
    %dma_start3A_142 = tpu.memref_squeeze %dma_start3A_141 : memref<1x!tpu.dma_semaphore, #tpu.memory_space<semaphore_mem>> -> memref<!tpu.dma_semaphore, #tpu.memory_space<semaphore_mem>>
    tpu.enqueue_indirect_dma source(%dma_start3A_140 : memref<100000x128xf32, #tpu.memory_space<hbm>>) target(%dma_start3A_134 : memref<128x128xf32, #tpu.memory_space<vmem>>) offsets(%dma_start3A_137 : memref<128xi32, #tpu.memory_space<vmem>>) semaphore(%dma_start3A_142 : memref<!tpu.dma_semaphore, #tpu.memory_space<semaphore_mem>>)
    %dma_wait3A_143 = arith.constant 1 : i32
    %dma_wait3A_144 = arith.constant 1 : i32
    %dma_wait3A_145 = arith.constant 0 : i32
    %dma_wait3A_146 = arith.constant 1 : i32
    %dma_wait3A_147 = arith.constant 0 : i32
    %dma_wait3A_148 = arith.constant 0 : i32
    %dma_wait3A_149 = tpu.memref_slice %arg6[%dma_wait3A_144, %dma_wait3A_145, %dma_wait3A_147, %dma_wait3A_148] : memref<7x1x128x128xf32, #tpu.memory_space<vmem>> -> memref<1x1x128x128xf32, #tpu.memory_space<vmem>>
    %dma_wait3A_150 = tpu.memref_squeeze %dma_wait3A_149 : memref<1x1x128x128xf32, #tpu.memory_space<vmem>> -> memref<128x128xf32, #tpu.memory_space<vmem>>
    %dma_wait3A_151 = arith.constant 0 : i32
    %dma_wait3A_152 = tpu.memref_slice %arg5[%dma_wait3A_143, %dma_wait3A_151] : memref<50x128xi32, #tpu.memory_space<vmem>> -> memref<1x128xi32, #tpu.memory_space<vmem>>
    %dma_wait3A_153 = tpu.memref_squeeze %dma_wait3A_152 : memref<1x128xi32, #tpu.memory_space<vmem>> -> memref<128xi32, #tpu.memory_space<vmem>>
    %dma_wait3A_154 = arith.constant 0 : i32
    %dma_wait3A_155 = arith.constant 0 : i32
    %dma_wait3A_156 = tpu.memref_slice %arg3[%dma_wait3A_154, %dma_wait3A_155] : memref<100000x128xf32, #tpu.memory_space<hbm>> -> memref<100000x128xf32, #tpu.memory_space<hbm>>
    %dma_wait3A_157 = tpu.memref_slice %arg7[%dma_wait3A_146] : memref<7x!tpu.dma_semaphore, #tpu.memory_space<semaphore_mem>> -> memref<1x!tpu.dma_semaphore, #tpu.memory_space<semaphore_mem>>
    %dma_wait3A_158 = tpu.memref_squeeze %dma_wait3A_157 : memref<1x!tpu.dma_semaphore, #tpu.memory_space<semaphore_mem>> -> memref<!tpu.dma_semaphore, #tpu.memory_space<semaphore_mem>>
    tpu.wait_indirect_dma semaphore(%dma_wait3A_158 : memref<!tpu.dma_semaphore, #tpu.memory_space<semaphore_mem>>) src(%dma_wait3A_156 : memref<100000x128xf32, #tpu.memory_space<hbm>>) dst(%dma_wait3A_150 : memref<128x128xf32, #tpu.memory_space<vmem>>)
    %dma_start3A_159 = arith.constant 1 : i32
    %dma_start3A_160 = arith.constant 1 : i32
    %dma_start3A_161 = arith.constant 0 : i32
    %dma_start3A_162 = arith.constant 0 : i32
    %dma_start3A_163 = arith.constant 0 : i32
    %dma_start3A_164 = tpu.memref_slice %arg6[%dma_start3A_159, %dma_start3A_161, %dma_start3A_162, %dma_start3A_163] : memref<7x1x128x128xf32, #tpu.memory_space<vmem>> -> memref<1x1x128x128xf32, #tpu.memory_space<vmem>>
    %dma_start3A_165 = tpu.memref_squeeze %dma_start3A_164 : memref<1x1x128x128xf32, #tpu.memory_space<vmem>> -> memref<1x128x128xf32, #tpu.memory_space<vmem>>
    %dma_start3A_166 = arith.constant 1 : i32
    %dma_start3A_167 = arith.constant 0 : i32
    %dma_start3A_168 = tpu.memref_slice %arg4[%dma_start3A_166, %mul3A_2, %dma_start3A_167] : memref<50x4096x128xf32, #tpu.memory_space<hbm>> -> memref<1x128x128xf32, #tpu.memory_space<hbm>>
    %dma_start3A_169 = tpu.memref_slice %arg8[%dma_start3A_160] : memref<7x!tpu.dma_semaphore, #tpu.memory_space<semaphore_mem>> -> memref<1x!tpu.dma_semaphore, #tpu.memory_space<semaphore_mem>>
    %dma_start3A_170 = tpu.memref_squeeze %dma_start3A_169 : memref<1x!tpu.dma_semaphore, #tpu.memory_space<semaphore_mem>> -> memref<!tpu.dma_semaphore, #tpu.memory_space<semaphore_mem>>
    %dma_start3A_171 = arith.constant 1 : i32
    %dma_start3A_172 = arith.constant 0 : i32
    %dma_start3A_173 = tpu.memref_slice %arg4[%dma_start3A_171, %mul3A_2, %dma_start3A_172] : memref<50x4096x128xf32, #tpu.memory_space<hbm>> -> memref<1x128x128xf32, #tpu.memory_space<hbm>>
    %dma_start3A_174 = arith.constant 0 : i32
    %dma_start3A_175 = arith.constant 0 : i32
    %dma_start3A_176 = arith.constant 0 : i32
    %dma_start3A_177 = tpu.memref_slice %arg6[%dma_start3A_159, %dma_start3A_174, %dma_start3A_175, %dma_start3A_176] : memref<7x1x128x128xf32, #tpu.memory_space<vmem>> -> memref<1x1x128x128xf32, #tpu.memory_space<vmem>>
    %dma_start3A_178 = tpu.memref_squeeze %dma_start3A_177 : memref<1x1x128x128xf32, #tpu.memory_space<vmem>> -> memref<1x128x128xf32, #tpu.memory_space<vmem>>
    tpu.enqueue_dma source(%dma_start3A_178 : memref<1x128x128xf32, #tpu.memory_space<vmem>>) target(%dma_start3A_173 : memref<1x128x128xf32, #tpu.memory_space<hbm>>) target_semaphore(%dma_start3A_170 : memref<!tpu.dma_semaphore, #tpu.memory_space<semaphore_mem>>)
    %dma_start3A_179 = arith.constant 6 : i32
    %dma_start3A_180 = arith.constant 6 : i32
    %dma_start3A_181 = arith.constant 0 : i32
    %dma_start3A_182 = arith.constant 6 : i32
    %dma_start3A_183 = arith.constant 0 : i32
    %dma_start3A_184 = arith.constant 0 : i32
    %dma_start3A_185 = tpu.memref_slice %arg6[%dma_start3A_180, %dma_start3A_181, %dma_start3A_183, %dma_start3A_184] : memref<7x1x128x128xf32, #tpu.memory_space<vmem>> -> memref<1x1x128x128xf32, #tpu.memory_space<vmem>>
    %dma_start3A_186 = tpu.memref_squeeze %dma_start3A_185 : memref<1x1x128x128xf32, #tpu.memory_space<vmem>> -> memref<128x128xf32, #tpu.memory_space<vmem>>
    %dma_start3A_187 = arith.constant 0 : i32
    %dma_start3A_188 = tpu.memref_slice %arg5[%dma_start3A_179, %dma_start3A_187] : memref<50x128xi32, #tpu.memory_space<vmem>> -> memref<1x128xi32, #tpu.memory_space<vmem>>
    %dma_start3A_189 = tpu.memref_squeeze %dma_start3A_188 : memref<1x128xi32, #tpu.memory_space<vmem>> -> memref<128xi32, #tpu.memory_space<vmem>>
    %dma_start3A_190 = arith.constant 0 : i32
    %dma_start3A_191 = arith.constant 0 : i32
    %dma_start3A_192 = tpu.memref_slice %arg3[%dma_start3A_190, %dma_start3A_191] : memref<100000x128xf32, #tpu.memory_space<hbm>> -> memref<100000x128xf32, #tpu.memory_space<hbm>>
    %dma_start3A_193 = tpu.memref_slice %arg7[%dma_start3A_182] : memref<7x!tpu.dma_semaphore, #tpu.memory_space<semaphore_mem>> -> memref<1x!tpu.dma_semaphore, #tpu.memory_space<semaphore_mem>>
    %dma_start3A_194 = tpu.memref_squeeze %dma_start3A_193 : memref<1x!tpu.dma_semaphore, #tpu.memory_space<semaphore_mem>> -> memref<!tpu.dma_semaphore, #tpu.memory_space<semaphore_mem>>
    tpu.enqueue_indirect_dma source(%dma_start3A_192 : memref<100000x128xf32, #tpu.memory_space<hbm>>) target(%dma_start3A_186 : memref<128x128xf32, #tpu.memory_space<vmem>>) offsets(%dma_start3A_189 : memref<128xi32, #tpu.memory_space<vmem>>) semaphore(%dma_start3A_194 : memref<!tpu.dma_semaphore, #tpu.memory_space<semaphore_mem>>)
    %dma_wait3A_195 = arith.constant 8 : i32
    %dma_wait3A_196 = arith.constant 0 : i32
    %dma_wait3A_197 = tpu.memref_slice %arg5[%dma_wait3A_195, %dma_wait3A_196] : memref<50x128xi32, #tpu.memory_space<vmem>> -> memref<42x128xi32, #tpu.memory_space<vmem>>
    %dma_wait3A_198 = arith.constant 8 : i32
    %dma_wait3A_199 = tpu.memref_slice %arg2[%dma_wait3A_198, %mul3A_2] : memref<50x4096xi32, #tpu.memory_space<hbm>> -> memref<42x128xi32, #tpu.memory_space<hbm>>
    %dma_wait3A_200 = arith.constant 8 : i32
    %dma_wait3A_201 = arith.constant 0 : i32
    %dma_wait3A_202 = tpu.memref_slice %arg5[%dma_wait3A_200, %dma_wait3A_201] : memref<50x128xi32, #tpu.memory_space<vmem>> -> memref<42x128xi32, #tpu.memory_space<vmem>>
    %dma_wait3A_203 = arith.constant 8 : i32
    %dma_wait3A_204 = tpu.memref_slice %arg2[%dma_wait3A_203, %mul3A_2] : memref<50x4096xi32, #tpu.memory_space<hbm>> -> memref<42x128xi32, #tpu.memory_space<hbm>>
    tpu.wait_dma2 semaphore(%arg9 : memref<!tpu.dma_semaphore, #tpu.memory_space<semaphore_mem>>) src(%dma_wait3A_204 : memref<42x128xi32, #tpu.memory_space<hbm>>) dst(%dma_wait3A_202 : memref<42x128xi32, #tpu.memory_space<vmem>>)
    %scan3A = arith.constant 0 : i32
    %scan3A_205 = arith.constant 6 : i32
    %scan3A_206 = arith.addi %scan3A, %scan3A_205 : i32
    %scan3A_207 = arith.constant 1 : i32
    scf.for %scan3A_601 = %scan3A to %scan3A_206 step %scan3A_207  : i32 {
      %mul3A_602 = arith.constant 7 : i32
      %mul3A_603 = arith.muli %scan3A_601, %mul3A_602 : i32
      %add3A_604 = arith.constant 2 : i32
      %add3A_605 = arith.addi %add3A_604, %mul3A_603 : i32
      %add3A_606 = arith.constant 0 : i32
      %add3A_607 = arith.addi %add3A_605, %add3A_606 : i32
      %mul3A_608 = arith.constant 1 : i32
      %mul3A_609 = arith.muli %add3A_607, %mul3A_608 : i32
      %add3A_610 = arith.constant 0 : i32
      %add3A_611 = arith.addi %mul3A_609, %add3A_610 : i32
      %dma_wait3A_612 = arith.constant 2 : i32
      %dma_wait3A_613 = arith.constant 0 : i32
      %dma_wait3A_614 = arith.constant 2 : i32
      %dma_wait3A_615 = arith.constant 0 : i32
      %dma_wait3A_616 = arith.constant 0 : i32
      %dma_wait3A_617 = tpu.memref_slice %arg6[%dma_wait3A_612, %dma_wait3A_613, %dma_wait3A_615, %dma_wait3A_616] : memref<7x1x128x128xf32, #tpu.memory_space<vmem>> -> memref<1x1x128x128xf32, #tpu.memory_space<vmem>>
      %dma_wait3A_618 = tpu.memref_squeeze %dma_wait3A_617 : memref<1x1x128x128xf32, #tpu.memory_space<vmem>> -> memref<128x128xf32, #tpu.memory_space<vmem>>
      %dma_wait3A_619 = arith.constant 0 : i32
      %dma_wait3A_620 = tpu.memref_slice %arg5[%add3A_611, %dma_wait3A_619] : memref<50x128xi32, #tpu.memory_space<vmem>> -> memref<1x128xi32, #tpu.memory_space<vmem>>
      %dma_wait3A_621 = tpu.memref_squeeze %dma_wait3A_620 : memref<1x128xi32, #tpu.memory_space<vmem>> -> memref<128xi32, #tpu.memory_space<vmem>>
      %dma_wait3A_622 = arith.constant 0 : i32
      %dma_wait3A_623 = arith.constant 0 : i32
      %dma_wait3A_624 = tpu.memref_slice %arg3[%dma_wait3A_622, %dma_wait3A_623] : memref<100000x128xf32, #tpu.memory_space<hbm>> -> memref<100000x128xf32, #tpu.memory_space<hbm>>
      %dma_wait3A_625 = tpu.memref_slice %arg7[%dma_wait3A_614] : memref<7x!tpu.dma_semaphore, #tpu.memory_space<semaphore_mem>> -> memref<1x!tpu.dma_semaphore, #tpu.memory_space<semaphore_mem>>
      %dma_wait3A_626 = tpu.memref_squeeze %dma_wait3A_625 : memref<1x!tpu.dma_semaphore, #tpu.memory_space<semaphore_mem>> -> memref<!tpu.dma_semaphore, #tpu.memory_space<semaphore_mem>>
      tpu.wait_indirect_dma semaphore(%dma_wait3A_626 : memref<!tpu.dma_semaphore, #tpu.memory_space<semaphore_mem>>) src(%dma_wait3A_624 : memref<100000x128xf32, #tpu.memory_space<hbm>>) dst(%dma_wait3A_618 : memref<128x128xf32, #tpu.memory_space<vmem>>)
      %mul3A_627 = arith.constant 1 : i32
      %mul3A_628 = arith.muli %add3A_607, %mul3A_627 : i32
      %dma_start3A_629 = arith.constant 2 : i32
      %dma_start3A_630 = arith.constant 2 : i32
      %dma_start3A_631 = arith.constant 0 : i32
      %dma_start3A_632 = arith.constant 0 : i32
      %dma_start3A_633 = arith.constant 0 : i32
      %dma_start3A_634 = tpu.memref_slice %arg6[%dma_start3A_629, %dma_start3A_631, %dma_start3A_632, %dma_start3A_633] : memref<7x1x128x128xf32, #tpu.memory_space<vmem>> -> memref<1x1x128x128xf32, #tpu.memory_space<vmem>>
      %dma_start3A_635 = tpu.memref_squeeze %dma_start3A_634 : memref<1x1x128x128xf32, #tpu.memory_space<vmem>> -> memref<1x128x128xf32, #tpu.memory_space<vmem>>
      %dma_start3A_636 = arith.constant 0 : i32
      %dma_start3A_637 = tpu.memref_slice %arg4[%mul3A_628, %mul3A_2, %dma_start3A_636] : memref<50x4096x128xf32, #tpu.memory_space<hbm>> -> memref<1x128x128xf32, #tpu.memory_space<hbm>>
      %dma_start3A_638 = tpu.memref_slice %arg8[%dma_start3A_630] : memref<7x!tpu.dma_semaphore, #tpu.memory_space<semaphore_mem>> -> memref<1x!tpu.dma_semaphore, #tpu.memory_space<semaphore_mem>>
      %dma_start3A_639 = tpu.memref_squeeze %dma_start3A_638 : memref<1x!tpu.dma_semaphore, #tpu.memory_space<semaphore_mem>> -> memref<!tpu.dma_semaphore, #tpu.memory_space<semaphore_mem>>
      %dma_start3A_640 = arith.constant 0 : i32
      %dma_start3A_641 = tpu.memref_slice %arg4[%mul3A_628, %mul3A_2, %dma_start3A_640] : memref<50x4096x128xf32, #tpu.memory_space<hbm>> -> memref<1x128x128xf32, #tpu.memory_space<hbm>>
      %dma_start3A_642 = arith.constant 0 : i32
      %dma_start3A_643 = arith.constant 0 : i32
      %dma_start3A_644 = arith.constant 0 : i32
      %dma_start3A_645 = tpu.memref_slice %arg6[%dma_start3A_629, %dma_start3A_642, %dma_start3A_643, %dma_start3A_644] : memref<7x1x128x128xf32, #tpu.memory_space<vmem>> -> memref<1x1x128x128xf32, #tpu.memory_space<vmem>>
      %dma_start3A_646 = tpu.memref_squeeze %dma_start3A_645 : memref<1x1x128x128xf32, #tpu.memory_space<vmem>> -> memref<1x128x128xf32, #tpu.memory_space<vmem>>
      tpu.enqueue_dma source(%dma_start3A_646 : memref<1x128x128xf32, #tpu.memory_space<vmem>>) target(%dma_start3A_641 : memref<1x128x128xf32, #tpu.memory_space<hbm>>) target_semaphore(%dma_start3A_639 : memref<!tpu.dma_semaphore, #tpu.memory_space<semaphore_mem>>)
      %add3A_647 = arith.constant 5 : i32
      %add3A_648 = arith.addi %add3A_607, %add3A_647 : i32
      %sub3A = arith.constant 7 : i32
      %sub3A_649 = arith.subi %add3A_648, %sub3A : i32
      %mul3A_650 = arith.constant 1 : i32
      %mul3A_651 = arith.muli %sub3A_649, %mul3A_650 : i32
      %dma_wait3A_652 = arith.constant 0 : i32
      %dma_wait3A_653 = arith.constant 0 : i32
      %dma_wait3A_654 = arith.constant 0 : i32
      %dma_wait3A_655 = arith.constant 0 : i32
      %dma_wait3A_656 = arith.constant 0 : i32
      %dma_wait3A_657 = tpu.memref_slice %arg6[%dma_wait3A_652, %dma_wait3A_654, %dma_wait3A_655, %dma_wait3A_656] : memref<7x1x128x128xf32, #tpu.memory_space<vmem>> -> memref<1x1x128x128xf32, #tpu.memory_space<vmem>>
      %dma_wait3A_658 = tpu.memref_squeeze %dma_wait3A_657 : memref<1x1x128x128xf32, #tpu.memory_space<vmem>> -> memref<1x128x128xf32, #tpu.memory_space<vmem>>
      %dma_wait3A_659 = arith.constant 0 : i32
      %dma_wait3A_660 = tpu.memref_slice %arg4[%mul3A_651, %mul3A_2, %dma_wait3A_659] : memref<50x4096x128xf32, #tpu.memory_space<hbm>> -> memref<1x128x128xf32, #tpu.memory_space<hbm>>
      %dma_wait3A_661 = tpu.memref_slice %arg8[%dma_wait3A_653] : memref<7x!tpu.dma_semaphore, #tpu.memory_space<semaphore_mem>> -> memref<1x!tpu.dma_semaphore, #tpu.memory_space<semaphore_mem>>
      %dma_wait3A_662 = tpu.memref_squeeze %dma_wait3A_661 : memref<1x!tpu.dma_semaphore, #tpu.memory_space<semaphore_mem>> -> memref<!tpu.dma_semaphore, #tpu.memory_space<semaphore_mem>>
      %dma_wait3A_663 = arith.constant 0 : i32
      %dma_wait3A_664 = tpu.memref_slice %arg4[%mul3A_651, %mul3A_2, %dma_wait3A_663] : memref<50x4096x128xf32, #tpu.memory_space<hbm>> -> memref<1x128x128xf32, #tpu.memory_space<hbm>>
      %dma_wait3A_665 = arith.constant 0 : i32
      %dma_wait3A_666 = arith.constant 0 : i32
      %dma_wait3A_667 = arith.constant 0 : i32
      %dma_wait3A_668 = tpu.memref_slice %arg6[%dma_wait3A_652, %dma_wait3A_665, %dma_wait3A_666, %dma_wait3A_667] : memref<7x1x128x128xf32, #tpu.memory_space<vmem>> -> memref<1x1x128x128xf32, #tpu.memory_space<vmem>>
      %dma_wait3A_669 = tpu.memref_squeeze %dma_wait3A_668 : memref<1x1x128x128xf32, #tpu.memory_space<vmem>> -> memref<1x128x128xf32, #tpu.memory_space<vmem>>
      tpu.wait_dma2 semaphore(%dma_wait3A_662 : memref<!tpu.dma_semaphore, #tpu.memory_space<semaphore_mem>>) src(%dma_wait3A_669 : memref<1x128x128xf32, #tpu.memory_space<vmem>>) dst(%dma_wait3A_664 : memref<1x128x128xf32, #tpu.memory_space<hbm>>)
      %add3A_670 = arith.constant 5 : i32
      %add3A_671 = arith.addi %add3A_607, %add3A_670 : i32
      %mul3A_672 = arith.constant 1 : i32
      %mul3A_673 = arith.muli %add3A_671, %mul3A_672 : i32
      %add3A_674 = arith.constant 0 : i32
      %add3A_675 = arith.addi %mul3A_673, %add3A_674 : i32
      %dma_start3A_676 = arith.constant 0 : i32
      %dma_start3A_677 = arith.constant 0 : i32
      %dma_start3A_678 = arith.constant 0 : i32
      %dma_start3A_679 = arith.constant 0 : i32
      %dma_start3A_680 = arith.constant 0 : i32
      %dma_start3A_681 = tpu.memref_slice %arg6[%dma_start3A_676, %dma_start3A_677, %dma_start3A_679, %dma_start3A_680] : memref<7x1x128x128xf32, #tpu.memory_space<vmem>> -> memref<1x1x128x128xf32, #tpu.memory_space<vmem>>
      %dma_start3A_682 = tpu.memref_squeeze %dma_start3A_681 : memref<1x1x128x128xf32, #tpu.memory_space<vmem>> -> memref<128x128xf32, #tpu.memory_space<vmem>>
      %dma_start3A_683 = arith.constant 0 : i32
      %dma_start3A_684 = tpu.memref_slice %arg5[%add3A_675, %dma_start3A_683] : memref<50x128xi32, #tpu.memory_space<vmem>> -> memref<1x128xi32, #tpu.memory_space<vmem>>
      %dma_start3A_685 = tpu.memref_squeeze %dma_start3A_684 : memref<1x128xi32, #tpu.memory_space<vmem>> -> memref<128xi32, #tpu.memory_space<vmem>>
      %dma_start3A_686 = arith.constant 0 : i32
      %dma_start3A_687 = arith.constant 0 : i32
      %dma_start3A_688 = tpu.memref_slice %arg3[%dma_start3A_686, %dma_start3A_687] : memref<100000x128xf32, #tpu.memory_space<hbm>> -> memref<100000x128xf32, #tpu.memory_space<hbm>>
      %dma_start3A_689 = tpu.memref_slice %arg7[%dma_start3A_678] : memref<7x!tpu.dma_semaphore, #tpu.memory_space<semaphore_mem>> -> memref<1x!tpu.dma_semaphore, #tpu.memory_space<semaphore_mem>>
      %dma_start3A_690 = tpu.memref_squeeze %dma_start3A_689 : memref<1x!tpu.dma_semaphore, #tpu.memory_space<semaphore_mem>> -> memref<!tpu.dma_semaphore, #tpu.memory_space<semaphore_mem>>
      tpu.enqueue_indirect_dma source(%dma_start3A_688 : memref<100000x128xf32, #tpu.memory_space<hbm>>) target(%dma_start3A_682 : memref<128x128xf32, #tpu.memory_space<vmem>>) offsets(%dma_start3A_685 : memref<128xi32, #tpu.memory_space<vmem>>) semaphore(%dma_start3A_690 : memref<!tpu.dma_semaphore, #tpu.memory_space<semaphore_mem>>)
      %add3A_691 = arith.constant 1 : i32
      %add3A_692 = arith.addi %add3A_605, %add3A_691 : i32
      %mul3A_693 = arith.constant 1 : i32
      %mul3A_694 = arith.muli %add3A_692, %mul3A_693 : i32
      %add3A_695 = arith.constant 0 : i32
      %add3A_696 = arith.addi %mul3A_694, %add3A_695 : i32
      %dma_wait3A_697 = arith.constant 3 : i32
      %dma_wait3A_698 = arith.constant 0 : i32
      %dma_wait3A_699 = arith.constant 3 : i32
      %dma_wait3A_700 = arith.constant 0 : i32
      %dma_wait3A_701 = arith.constant 0 : i32
      %dma_wait3A_702 = tpu.memref_slice %arg6[%dma_wait3A_697, %dma_wait3A_698, %dma_wait3A_700, %dma_wait3A_701] : memref<7x1x128x128xf32, #tpu.memory_space<vmem>> -> memref<1x1x128x128xf32, #tpu.memory_space<vmem>>
      %dma_wait3A_703 = tpu.memref_squeeze %dma_wait3A_702 : memref<1x1x128x128xf32, #tpu.memory_space<vmem>> -> memref<128x128xf32, #tpu.memory_space<vmem>>
      %dma_wait3A_704 = arith.constant 0 : i32
      %dma_wait3A_705 = tpu.memref_slice %arg5[%add3A_696, %dma_wait3A_704] : memref<50x128xi32, #tpu.memory_space<vmem>> -> memref<1x128xi32, #tpu.memory_space<vmem>>
      %dma_wait3A_706 = tpu.memref_squeeze %dma_wait3A_705 : memref<1x128xi32, #tpu.memory_space<vmem>> -> memref<128xi32, #tpu.memory_space<vmem>>
      %dma_wait3A_707 = arith.constant 0 : i32
      %dma_wait3A_708 = arith.constant 0 : i32
      %dma_wait3A_709 = tpu.memref_slice %arg3[%dma_wait3A_707, %dma_wait3A_708] : memref<100000x128xf32, #tpu.memory_space<hbm>> -> memref<100000x128xf32, #tpu.memory_space<hbm>>
      %dma_wait3A_710 = tpu.memref_slice %arg7[%dma_wait3A_699] : memref<7x!tpu.dma_semaphore, #tpu.memory_space<semaphore_mem>> -> memref<1x!tpu.dma_semaphore, #tpu.memory_space<semaphore_mem>>
      %dma_wait3A_711 = tpu.memref_squeeze %dma_wait3A_710 : memref<1x!tpu.dma_semaphore, #tpu.memory_space<semaphore_mem>> -> memref<!tpu.dma_semaphore, #tpu.memory_space<semaphore_mem>>
      tpu.wait_indirect_dma semaphore(%dma_wait3A_711 : memref<!tpu.dma_semaphore, #tpu.memory_space<semaphore_mem>>) src(%dma_wait3A_709 : memref<100000x128xf32, #tpu.memory_space<hbm>>) dst(%dma_wait3A_703 : memref<128x128xf32, #tpu.memory_space<vmem>>)
      %mul3A_712 = arith.constant 1 : i32
      %mul3A_713 = arith.muli %add3A_692, %mul3A_712 : i32
      %dma_start3A_714 = arith.constant 3 : i32
      %dma_start3A_715 = arith.constant 3 : i32
      %dma_start3A_716 = arith.constant 0 : i32
      %dma_start3A_717 = arith.constant 0 : i32
      %dma_start3A_718 = arith.constant 0 : i32
      %dma_start3A_719 = tpu.memref_slice %arg6[%dma_start3A_714, %dma_start3A_716, %dma_start3A_717, %dma_start3A_718] : memref<7x1x128x128xf32, #tpu.memory_space<vmem>> -> memref<1x1x128x128xf32, #tpu.memory_space<vmem>>
      %dma_start3A_720 = tpu.memref_squeeze %dma_start3A_719 : memref<1x1x128x128xf32, #tpu.memory_space<vmem>> -> memref<1x128x128xf32, #tpu.memory_space<vmem>>
      %dma_start3A_721 = arith.constant 0 : i32
      %dma_start3A_722 = tpu.memref_slice %arg4[%mul3A_713, %mul3A_2, %dma_start3A_721] : memref<50x4096x128xf32, #tpu.memory_space<hbm>> -> memref<1x128x128xf32, #tpu.memory_space<hbm>>
      %dma_start3A_723 = tpu.memref_slice %arg8[%dma_start3A_715] : memref<7x!tpu.dma_semaphore, #tpu.memory_space<semaphore_mem>> -> memref<1x!tpu.dma_semaphore, #tpu.memory_space<semaphore_mem>>
      %dma_start3A_724 = tpu.memref_squeeze %dma_start3A_723 : memref<1x!tpu.dma_semaphore, #tpu.memory_space<semaphore_mem>> -> memref<!tpu.dma_semaphore, #tpu.memory_space<semaphore_mem>>
      %dma_start3A_725 = arith.constant 0 : i32
      %dma_start3A_726 = tpu.memref_slice %arg4[%mul3A_713, %mul3A_2, %dma_start3A_725] : memref<50x4096x128xf32, #tpu.memory_space<hbm>> -> memref<1x128x128xf32, #tpu.memory_space<hbm>>
      %dma_start3A_727 = arith.constant 0 : i32
      %dma_start3A_728 = arith.constant 0 : i32
      %dma_start3A_729 = arith.constant 0 : i32
      %dma_start3A_730 = tpu.memref_slice %arg6[%dma_start3A_714, %dma_start3A_727, %dma_start3A_728, %dma_start3A_729] : memref<7x1x128x128xf32, #tpu.memory_space<vmem>> -> memref<1x1x128x128xf32, #tpu.memory_space<vmem>>
      %dma_start3A_731 = tpu.memref_squeeze %dma_start3A_730 : memref<1x1x128x128xf32, #tpu.memory_space<vmem>> -> memref<1x128x128xf32, #tpu.memory_space<vmem>>
      tpu.enqueue_dma source(%dma_start3A_731 : memref<1x128x128xf32, #tpu.memory_space<vmem>>) target(%dma_start3A_726 : memref<1x128x128xf32, #tpu.memory_space<hbm>>) target_semaphore(%dma_start3A_724 : memref<!tpu.dma_semaphore, #tpu.memory_space<semaphore_mem>>)
      %add3A_732 = arith.constant 5 : i32
      %add3A_733 = arith.addi %add3A_692, %add3A_732 : i32
      %sub3A_734 = arith.constant 7 : i32
      %sub3A_735 = arith.subi %add3A_733, %sub3A_734 : i32
      %mul3A_736 = arith.constant 1 : i32
      %mul3A_737 = arith.muli %sub3A_735, %mul3A_736 : i32
      %dma_wait3A_738 = arith.constant 1 : i32
      %dma_wait3A_739 = arith.constant 1 : i32
      %dma_wait3A_740 = arith.constant 0 : i32
      %dma_wait3A_741 = arith.constant 0 : i32
      %dma_wait3A_742 = arith.constant 0 : i32
      %dma_wait3A_743 = tpu.memref_slice %arg6[%dma_wait3A_738, %dma_wait3A_740, %dma_wait3A_741, %dma_wait3A_742] : memref<7x1x128x128xf32, #tpu.memory_space<vmem>> -> memref<1x1x128x128xf32, #tpu.memory_space<vmem>>
      %dma_wait3A_744 = tpu.memref_squeeze %dma_wait3A_743 : memref<1x1x128x128xf32, #tpu.memory_space<vmem>> -> memref<1x128x128xf32, #tpu.memory_space<vmem>>
      %dma_wait3A_745 = arith.constant 0 : i32
      %dma_wait3A_746 = tpu.memref_slice %arg4[%mul3A_737, %mul3A_2, %dma_wait3A_745] : memref<50x4096x128xf32, #tpu.memory_space<hbm>> -> memref<1x128x128xf32, #tpu.memory_space<hbm>>
      %dma_wait3A_747 = tpu.memref_slice %arg8[%dma_wait3A_739] : memref<7x!tpu.dma_semaphore, #tpu.memory_space<semaphore_mem>> -> memref<1x!tpu.dma_semaphore, #tpu.memory_space<semaphore_mem>>
      %dma_wait3A_748 = tpu.memref_squeeze %dma_wait3A_747 : memref<1x!tpu.dma_semaphore, #tpu.memory_space<semaphore_mem>> -> memref<!tpu.dma_semaphore, #tpu.memory_space<semaphore_mem>>
      %dma_wait3A_749 = arith.constant 0 : i32
      %dma_wait3A_750 = tpu.memref_slice %arg4[%mul3A_737, %mul3A_2, %dma_wait3A_749] : memref<50x4096x128xf32, #tpu.memory_space<hbm>> -> memref<1x128x128xf32, #tpu.memory_space<hbm>>
      %dma_wait3A_751 = arith.constant 0 : i32
      %dma_wait3A_752 = arith.constant 0 : i32
      %dma_wait3A_753 = arith.constant 0 : i32
      %dma_wait3A_754 = tpu.memref_slice %arg6[%dma_wait3A_738, %dma_wait3A_751, %dma_wait3A_752, %dma_wait3A_753] : memref<7x1x128x128xf32, #tpu.memory_space<vmem>> -> memref<1x1x128x128xf32, #tpu.memory_space<vmem>>
      %dma_wait3A_755 = tpu.memref_squeeze %dma_wait3A_754 : memref<1x1x128x128xf32, #tpu.memory_space<vmem>> -> memref<1x128x128xf32, #tpu.memory_space<vmem>>
      tpu.wait_dma2 semaphore(%dma_wait3A_748 : memref<!tpu.dma_semaphore, #tpu.memory_space<semaphore_mem>>) src(%dma_wait3A_755 : memref<1x128x128xf32, #tpu.memory_space<vmem>>) dst(%dma_wait3A_750 : memref<1x128x128xf32, #tpu.memory_space<hbm>>)
      %add3A_756 = arith.constant 5 : i32
      %add3A_757 = arith.addi %add3A_692, %add3A_756 : i32
      %mul3A_758 = arith.constant 1 : i32
      %mul3A_759 = arith.muli %add3A_757, %mul3A_758 : i32
      %add3A_760 = arith.constant 0 : i32
      %add3A_761 = arith.addi %mul3A_759, %add3A_760 : i32
      %dma_start3A_762 = arith.constant 1 : i32
      %dma_start3A_763 = arith.constant 0 : i32
      %dma_start3A_764 = arith.constant 1 : i32
      %dma_start3A_765 = arith.constant 0 : i32
      %dma_start3A_766 = arith.constant 0 : i32
      %dma_start3A_767 = tpu.memref_slice %arg6[%dma_start3A_762, %dma_start3A_763, %dma_start3A_765, %dma_start3A_766] : memref<7x1x128x128xf32, #tpu.memory_space<vmem>> -> memref<1x1x128x128xf32, #tpu.memory_space<vmem>>
      %dma_start3A_768 = tpu.memref_squeeze %dma_start3A_767 : memref<1x1x128x128xf32, #tpu.memory_space<vmem>> -> memref<128x128xf32, #tpu.memory_space<vmem>>
      %dma_start3A_769 = arith.constant 0 : i32
      %dma_start3A_770 = tpu.memref_slice %arg5[%add3A_761, %dma_start3A_769] : memref<50x128xi32, #tpu.memory_space<vmem>> -> memref<1x128xi32, #tpu.memory_space<vmem>>
      %dma_start3A_771 = tpu.memref_squeeze %dma_start3A_770 : memref<1x128xi32, #tpu.memory_space<vmem>> -> memref<128xi32, #tpu.memory_space<vmem>>
      %dma_start3A_772 = arith.constant 0 : i32
      %dma_start3A_773 = arith.constant 0 : i32
      %dma_start3A_774 = tpu.memref_slice %arg3[%dma_start3A_772, %dma_start3A_773] : memref<100000x128xf32, #tpu.memory_space<hbm>> -> memref<100000x128xf32, #tpu.memory_space<hbm>>
      %dma_start3A_775 = tpu.memref_slice %arg7[%dma_start3A_764] : memref<7x!tpu.dma_semaphore, #tpu.memory_space<semaphore_mem>> -> memref<1x!tpu.dma_semaphore, #tpu.memory_space<semaphore_mem>>
      %dma_start3A_776 = tpu.memref_squeeze %dma_start3A_775 : memref<1x!tpu.dma_semaphore, #tpu.memory_space<semaphore_mem>> -> memref<!tpu.dma_semaphore, #tpu.memory_space<semaphore_mem>>
      tpu.enqueue_indirect_dma source(%dma_start3A_774 : memref<100000x128xf32, #tpu.memory_space<hbm>>) target(%dma_start3A_768 : memref<128x128xf32, #tpu.memory_space<vmem>>) offsets(%dma_start3A_771 : memref<128xi32, #tpu.memory_space<vmem>>) semaphore(%dma_start3A_776 : memref<!tpu.dma_semaphore, #tpu.memory_space<semaphore_mem>>)
      %add3A_777 = arith.constant 2 : i32
      %add3A_778 = arith.addi %add3A_605, %add3A_777 : i32
      %mul3A_779 = arith.constant 1 : i32
      %mul3A_780 = arith.muli %add3A_778, %mul3A_779 : i32
      %add3A_781 = arith.constant 0 : i32
      %add3A_782 = arith.addi %mul3A_780, %add3A_781 : i32
      %dma_wait3A_783 = arith.constant 4 : i32
      %dma_wait3A_784 = arith.constant 0 : i32
      %dma_wait3A_785 = arith.constant 4 : i32
      %dma_wait3A_786 = arith.constant 0 : i32
      %dma_wait3A_787 = arith.constant 0 : i32
      %dma_wait3A_788 = tpu.memref_slice %arg6[%dma_wait3A_783, %dma_wait3A_784, %dma_wait3A_786, %dma_wait3A_787] : memref<7x1x128x128xf32, #tpu.memory_space<vmem>> -> memref<1x1x128x128xf32, #tpu.memory_space<vmem>>
      %dma_wait3A_789 = tpu.memref_squeeze %dma_wait3A_788 : memref<1x1x128x128xf32, #tpu.memory_space<vmem>> -> memref<128x128xf32, #tpu.memory_space<vmem>>
      %dma_wait3A_790 = arith.constant 0 : i32
      %dma_wait3A_791 = tpu.memref_slice %arg5[%add3A_782, %dma_wait3A_790] : memref<50x128xi32, #tpu.memory_space<vmem>> -> memref<1x128xi32, #tpu.memory_space<vmem>>
      %dma_wait3A_792 = tpu.memref_squeeze %dma_wait3A_791 : memref<1x128xi32, #tpu.memory_space<vmem>> -> memref<128xi32, #tpu.memory_space<vmem>>
      %dma_wait3A_793 = arith.constant 0 : i32
      %dma_wait3A_794 = arith.constant 0 : i32
      %dma_wait3A_795 = tpu.memref_slice %arg3[%dma_wait3A_793, %dma_wait3A_794] : memref<100000x128xf32, #tpu.memory_space<hbm>> -> memref<100000x128xf32, #tpu.memory_space<hbm>>
      %dma_wait3A_796 = tpu.memref_slice %arg7[%dma_wait3A_785] : memref<7x!tpu.dma_semaphore, #tpu.memory_space<semaphore_mem>> -> memref<1x!tpu.dma_semaphore, #tpu.memory_space<semaphore_mem>>
      %dma_wait3A_797 = tpu.memref_squeeze %dma_wait3A_796 : memref<1x!tpu.dma_semaphore, #tpu.memory_space<semaphore_mem>> -> memref<!tpu.dma_semaphore, #tpu.memory_space<semaphore_mem>>
      tpu.wait_indirect_dma semaphore(%dma_wait3A_797 : memref<!tpu.dma_semaphore, #tpu.memory_space<semaphore_mem>>) src(%dma_wait3A_795 : memref<100000x128xf32, #tpu.memory_space<hbm>>) dst(%dma_wait3A_789 : memref<128x128xf32, #tpu.memory_space<vmem>>)
      %mul3A_798 = arith.constant 1 : i32
      %mul3A_799 = arith.muli %add3A_778, %mul3A_798 : i32
      %dma_start3A_800 = arith.constant 4 : i32
      %dma_start3A_801 = arith.constant 4 : i32
      %dma_start3A_802 = arith.constant 0 : i32
      %dma_start3A_803 = arith.constant 0 : i32
      %dma_start3A_804 = arith.constant 0 : i32
      %dma_start3A_805 = tpu.memref_slice %arg6[%dma_start3A_800, %dma_start3A_802, %dma_start3A_803, %dma_start3A_804] : memref<7x1x128x128xf32, #tpu.memory_space<vmem>> -> memref<1x1x128x128xf32, #tpu.memory_space<vmem>>
      %dma_start3A_806 = tpu.memref_squeeze %dma_start3A_805 : memref<1x1x128x128xf32, #tpu.memory_space<vmem>> -> memref<1x128x128xf32, #tpu.memory_space<vmem>>
      %dma_start3A_807 = arith.constant 0 : i32
      %dma_start3A_808 = tpu.memref_slice %arg4[%mul3A_799, %mul3A_2, %dma_start3A_807] : memref<50x4096x128xf32, #tpu.memory_space<hbm>> -> memref<1x128x128xf32, #tpu.memory_space<hbm>>
      %dma_start3A_809 = tpu.memref_slice %arg8[%dma_start3A_801] : memref<7x!tpu.dma_semaphore, #tpu.memory_space<semaphore_mem>> -> memref<1x!tpu.dma_semaphore, #tpu.memory_space<semaphore_mem>>
      %dma_start3A_810 = tpu.memref_squeeze %dma_start3A_809 : memref<1x!tpu.dma_semaphore, #tpu.memory_space<semaphore_mem>> -> memref<!tpu.dma_semaphore, #tpu.memory_space<semaphore_mem>>
      %dma_start3A_811 = arith.constant 0 : i32
      %dma_start3A_812 = tpu.memref_slice %arg4[%mul3A_799, %mul3A_2, %dma_start3A_811] : memref<50x4096x128xf32, #tpu.memory_space<hbm>> -> memref<1x128x128xf32, #tpu.memory_space<hbm>>
      %dma_start3A_813 = arith.constant 0 : i32
      %dma_start3A_814 = arith.constant 0 : i32
      %dma_start3A_815 = arith.constant 0 : i32
      %dma_start3A_816 = tpu.memref_slice %arg6[%dma_start3A_800, %dma_start3A_813, %dma_start3A_814, %dma_start3A_815] : memref<7x1x128x128xf32, #tpu.memory_space<vmem>> -> memref<1x1x128x128xf32, #tpu.memory_space<vmem>>
      %dma_start3A_817 = tpu.memref_squeeze %dma_start3A_816 : memref<1x1x128x128xf32, #tpu.memory_space<vmem>> -> memref<1x128x128xf32, #tpu.memory_space<vmem>>
      tpu.enqueue_dma source(%dma_start3A_817 : memref<1x128x128xf32, #tpu.memory_space<vmem>>) target(%dma_start3A_812 : memref<1x128x128xf32, #tpu.memory_space<hbm>>) target_semaphore(%dma_start3A_810 : memref<!tpu.dma_semaphore, #tpu.memory_space<semaphore_mem>>)
      %add3A_818 = arith.constant 5 : i32
      %add3A_819 = arith.addi %add3A_778, %add3A_818 : i32
      %sub3A_820 = arith.constant 7 : i32
      %sub3A_821 = arith.subi %add3A_819, %sub3A_820 : i32
      %mul3A_822 = arith.constant 1 : i32
      %mul3A_823 = arith.muli %sub3A_821, %mul3A_822 : i32
      %dma_wait3A_824 = arith.constant 2 : i32
      %dma_wait3A_825 = arith.constant 2 : i32
      %dma_wait3A_826 = arith.constant 0 : i32
      %dma_wait3A_827 = arith.constant 0 : i32
      %dma_wait3A_828 = arith.constant 0 : i32
      %dma_wait3A_829 = tpu.memref_slice %arg6[%dma_wait3A_824, %dma_wait3A_826, %dma_wait3A_827, %dma_wait3A_828] : memref<7x1x128x128xf32, #tpu.memory_space<vmem>> -> memref<1x1x128x128xf32, #tpu.memory_space<vmem>>
      %dma_wait3A_830 = tpu.memref_squeeze %dma_wait3A_829 : memref<1x1x128x128xf32, #tpu.memory_space<vmem>> -> memref<1x128x128xf32, #tpu.memory_space<vmem>>
      %dma_wait3A_831 = arith.constant 0 : i32
      %dma_wait3A_832 = tpu.memref_slice %arg4[%mul3A_823, %mul3A_2, %dma_wait3A_831] : memref<50x4096x128xf32, #tpu.memory_space<hbm>> -> memref<1x128x128xf32, #tpu.memory_space<hbm>>
      %dma_wait3A_833 = tpu.memref_slice %arg8[%dma_wait3A_825] : memref<7x!tpu.dma_semaphore, #tpu.memory_space<semaphore_mem>> -> memref<1x!tpu.dma_semaphore, #tpu.memory_space<semaphore_mem>>
      %dma_wait3A_834 = tpu.memref_squeeze %dma_wait3A_833 : memref<1x!tpu.dma_semaphore, #tpu.memory_space<semaphore_mem>> -> memref<!tpu.dma_semaphore, #tpu.memory_space<semaphore_mem>>
      %dma_wait3A_835 = arith.constant 0 : i32
      %dma_wait3A_836 = tpu.memref_slice %arg4[%mul3A_823, %mul3A_2, %dma_wait3A_835] : memref<50x4096x128xf32, #tpu.memory_space<hbm>> -> memref<1x128x128xf32, #tpu.memory_space<hbm>>
      %dma_wait3A_837 = arith.constant 0 : i32
      %dma_wait3A_838 = arith.constant 0 : i32
      %dma_wait3A_839 = arith.constant 0 : i32
      %dma_wait3A_840 = tpu.memref_slice %arg6[%dma_wait3A_824, %dma_wait3A_837, %dma_wait3A_838, %dma_wait3A_839] : memref<7x1x128x128xf32, #tpu.memory_space<vmem>> -> memref<1x1x128x128xf32, #tpu.memory_space<vmem>>
      %dma_wait3A_841 = tpu.memref_squeeze %dma_wait3A_840 : memref<1x1x128x128xf32, #tpu.memory_space<vmem>> -> memref<1x128x128xf32, #tpu.memory_space<vmem>>
      tpu.wait_dma2 semaphore(%dma_wait3A_834 : memref<!tpu.dma_semaphore, #tpu.memory_space<semaphore_mem>>) src(%dma_wait3A_841 : memref<1x128x128xf32, #tpu.memory_space<vmem>>) dst(%dma_wait3A_836 : memref<1x128x128xf32, #tpu.memory_space<hbm>>)
      %add3A_842 = arith.constant 5 : i32
      %add3A_843 = arith.addi %add3A_778, %add3A_842 : i32
      %mul3A_844 = arith.constant 1 : i32
      %mul3A_845 = arith.muli %add3A_843, %mul3A_844 : i32
      %add3A_846 = arith.constant 0 : i32
      %add3A_847 = arith.addi %mul3A_845, %add3A_846 : i32
      %dma_start3A_848 = arith.constant 2 : i32
      %dma_start3A_849 = arith.constant 0 : i32
      %dma_start3A_850 = arith.constant 2 : i32
      %dma_start3A_851 = arith.constant 0 : i32
      %dma_start3A_852 = arith.constant 0 : i32
      %dma_start3A_853 = tpu.memref_slice %arg6[%dma_start3A_848, %dma_start3A_849, %dma_start3A_851, %dma_start3A_852] : memref<7x1x128x128xf32, #tpu.memory_space<vmem>> -> memref<1x1x128x128xf32, #tpu.memory_space<vmem>>
      %dma_start3A_854 = tpu.memref_squeeze %dma_start3A_853 : memref<1x1x128x128xf32, #tpu.memory_space<vmem>> -> memref<128x128xf32, #tpu.memory_space<vmem>>
      %dma_start3A_855 = arith.constant 0 : i32
      %dma_start3A_856 = tpu.memref_slice %arg5[%add3A_847, %dma_start3A_855] : memref<50x128xi32, #tpu.memory_space<vmem>> -> memref<1x128xi32, #tpu.memory_space<vmem>>
      %dma_start3A_857 = tpu.memref_squeeze %dma_start3A_856 : memref<1x128xi32, #tpu.memory_space<vmem>> -> memref<128xi32, #tpu.memory_space<vmem>>
      %dma_start3A_858 = arith.constant 0 : i32
      %dma_start3A_859 = arith.constant 0 : i32
      %dma_start3A_860 = tpu.memref_slice %arg3[%dma_start3A_858, %dma_start3A_859] : memref<100000x128xf32, #tpu.memory_space<hbm>> -> memref<100000x128xf32, #tpu.memory_space<hbm>>
      %dma_start3A_861 = tpu.memref_slice %arg7[%dma_start3A_850] : memref<7x!tpu.dma_semaphore, #tpu.memory_space<semaphore_mem>> -> memref<1x!tpu.dma_semaphore, #tpu.memory_space<semaphore_mem>>
      %dma_start3A_862 = tpu.memref_squeeze %dma_start3A_861 : memref<1x!tpu.dma_semaphore, #tpu.memory_space<semaphore_mem>> -> memref<!tpu.dma_semaphore, #tpu.memory_space<semaphore_mem>>
      tpu.enqueue_indirect_dma source(%dma_start3A_860 : memref<100000x128xf32, #tpu.memory_space<hbm>>) target(%dma_start3A_854 : memref<128x128xf32, #tpu.memory_space<vmem>>) offsets(%dma_start3A_857 : memref<128xi32, #tpu.memory_space<vmem>>) semaphore(%dma_start3A_862 : memref<!tpu.dma_semaphore, #tpu.memory_space<semaphore_mem>>)
      %add3A_863 = arith.constant 3 : i32
      %add3A_864 = arith.addi %add3A_605, %add3A_863 : i32
      %mul3A_865 = arith.constant 1 : i32
      %mul3A_866 = arith.muli %add3A_864, %mul3A_865 : i32
      %add3A_867 = arith.constant 0 : i32
      %add3A_868 = arith.addi %mul3A_866, %add3A_867 : i32
      %dma_wait3A_869 = arith.constant 5 : i32
      %dma_wait3A_870 = arith.constant 0 : i32
      %dma_wait3A_871 = arith.constant 5 : i32
      %dma_wait3A_872 = arith.constant 0 : i32
      %dma_wait3A_873 = arith.constant 0 : i32
      %dma_wait3A_874 = tpu.memref_slice %arg6[%dma_wait3A_869, %dma_wait3A_870, %dma_wait3A_872, %dma_wait3A_873] : memref<7x1x128x128xf32, #tpu.memory_space<vmem>> -> memref<1x1x128x128xf32, #tpu.memory_space<vmem>>
      %dma_wait3A_875 = tpu.memref_squeeze %dma_wait3A_874 : memref<1x1x128x128xf32, #tpu.memory_space<vmem>> -> memref<128x128xf32, #tpu.memory_space<vmem>>
      %dma_wait3A_876 = arith.constant 0 : i32
      %dma_wait3A_877 = tpu.memref_slice %arg5[%add3A_868, %dma_wait3A_876] : memref<50x128xi32, #tpu.memory_space<vmem>> -> memref<1x128xi32, #tpu.memory_space<vmem>>
      %dma_wait3A_878 = tpu.memref_squeeze %dma_wait3A_877 : memref<1x128xi32, #tpu.memory_space<vmem>> -> memref<128xi32, #tpu.memory_space<vmem>>
      %dma_wait3A_879 = arith.constant 0 : i32
      %dma_wait3A_880 = arith.constant 0 : i32
      %dma_wait3A_881 = tpu.memref_slice %arg3[%dma_wait3A_879, %dma_wait3A_880] : memref<100000x128xf32, #tpu.memory_space<hbm>> -> memref<100000x128xf32, #tpu.memory_space<hbm>>
      %dma_wait3A_882 = tpu.memref_slice %arg7[%dma_wait3A_871] : memref<7x!tpu.dma_semaphore, #tpu.memory_space<semaphore_mem>> -> memref<1x!tpu.dma_semaphore, #tpu.memory_space<semaphore_mem>>
      %dma_wait3A_883 = tpu.memref_squeeze %dma_wait3A_882 : memref<1x!tpu.dma_semaphore, #tpu.memory_space<semaphore_mem>> -> memref<!tpu.dma_semaphore, #tpu.memory_space<semaphore_mem>>
      tpu.wait_indirect_dma semaphore(%dma_wait3A_883 : memref<!tpu.dma_semaphore, #tpu.memory_space<semaphore_mem>>) src(%dma_wait3A_881 : memref<100000x128xf32, #tpu.memory_space<hbm>>) dst(%dma_wait3A_875 : memref<128x128xf32, #tpu.memory_space<vmem>>)
      %mul3A_884 = arith.constant 1 : i32
      %mul3A_885 = arith.muli %add3A_864, %mul3A_884 : i32
      %dma_start3A_886 = arith.constant 5 : i32
      %dma_start3A_887 = arith.constant 5 : i32
      %dma_start3A_888 = arith.constant 0 : i32
      %dma_start3A_889 = arith.constant 0 : i32
      %dma_start3A_890 = arith.constant 0 : i32
      %dma_start3A_891 = tpu.memref_slice %arg6[%dma_start3A_886, %dma_start3A_888, %dma_start3A_889, %dma_start3A_890] : memref<7x1x128x128xf32, #tpu.memory_space<vmem>> -> memref<1x1x128x128xf32, #tpu.memory_space<vmem>>
      %dma_start3A_892 = tpu.memref_squeeze %dma_start3A_891 : memref<1x1x128x128xf32, #tpu.memory_space<vmem>> -> memref<1x128x128xf32, #tpu.memory_space<vmem>>
      %dma_start3A_893 = arith.constant 0 : i32
      %dma_start3A_894 = tpu.memref_slice %arg4[%mul3A_885, %mul3A_2, %dma_start3A_893] : memref<50x4096x128xf32, #tpu.memory_space<hbm>> -> memref<1x128x128xf32, #tpu.memory_space<hbm>>
      %dma_start3A_895 = tpu.memref_slice %arg8[%dma_start3A_887] : memref<7x!tpu.dma_semaphore, #tpu.memory_space<semaphore_mem>> -> memref<1x!tpu.dma_semaphore, #tpu.memory_space<semaphore_mem>>
      %dma_start3A_896 = tpu.memref_squeeze %dma_start3A_895 : memref<1x!tpu.dma_semaphore, #tpu.memory_space<semaphore_mem>> -> memref<!tpu.dma_semaphore, #tpu.memory_space<semaphore_mem>>
      %dma_start3A_897 = arith.constant 0 : i32
      %dma_start3A_898 = tpu.memref_slice %arg4[%mul3A_885, %mul3A_2, %dma_start3A_897] : memref<50x4096x128xf32, #tpu.memory_space<hbm>> -> memref<1x128x128xf32, #tpu.memory_space<hbm>>
      %dma_start3A_899 = arith.constant 0 : i32
      %dma_start3A_900 = arith.constant 0 : i32
      %dma_start3A_901 = arith.constant 0 : i32
      %dma_start3A_902 = tpu.memref_slice %arg6[%dma_start3A_886, %dma_start3A_899, %dma_start3A_900, %dma_start3A_901] : memref<7x1x128x128xf32, #tpu.memory_space<vmem>> -> memref<1x1x128x128xf32, #tpu.memory_space<vmem>>
      %dma_start3A_903 = tpu.memref_squeeze %dma_start3A_902 : memref<1x1x128x128xf32, #tpu.memory_space<vmem>> -> memref<1x128x128xf32, #tpu.memory_space<vmem>>
      tpu.enqueue_dma source(%dma_start3A_903 : memref<1x128x128xf32, #tpu.memory_space<vmem>>) target(%dma_start3A_898 : memref<1x128x128xf32, #tpu.memory_space<hbm>>) target_semaphore(%dma_start3A_896 : memref<!tpu.dma_semaphore, #tpu.memory_space<semaphore_mem>>)
      %add3A_904 = arith.constant 5 : i32
      %add3A_905 = arith.addi %add3A_864, %add3A_904 : i32
      %sub3A_906 = arith.constant 7 : i32
      %sub3A_907 = arith.subi %add3A_905, %sub3A_906 : i32
      %mul3A_908 = arith.constant 1 : i32
      %mul3A_909 = arith.muli %sub3A_907, %mul3A_908 : i32
      %dma_wait3A_910 = arith.constant 3 : i32
      %dma_wait3A_911 = arith.constant 3 : i32
      %dma_wait3A_912 = arith.constant 0 : i32
      %dma_wait3A_913 = arith.constant 0 : i32
      %dma_wait3A_914 = arith.constant 0 : i32
      %dma_wait3A_915 = tpu.memref_slice %arg6[%dma_wait3A_910, %dma_wait3A_912, %dma_wait3A_913, %dma_wait3A_914] : memref<7x1x128x128xf32, #tpu.memory_space<vmem>> -> memref<1x1x128x128xf32, #tpu.memory_space<vmem>>
      %dma_wait3A_916 = tpu.memref_squeeze %dma_wait3A_915 : memref<1x1x128x128xf32, #tpu.memory_space<vmem>> -> memref<1x128x128xf32, #tpu.memory_space<vmem>>
      %dma_wait3A_917 = arith.constant 0 : i32
      %dma_wait3A_918 = tpu.memref_slice %arg4[%mul3A_909, %mul3A_2, %dma_wait3A_917] : memref<50x4096x128xf32, #tpu.memory_space<hbm>> -> memref<1x128x128xf32, #tpu.memory_space<hbm>>
      %dma_wait3A_919 = tpu.memref_slice %arg8[%dma_wait3A_911] : memref<7x!tpu.dma_semaphore, #tpu.memory_space<semaphore_mem>> -> memref<1x!tpu.dma_semaphore, #tpu.memory_space<semaphore_mem>>
      %dma_wait3A_920 = tpu.memref_squeeze %dma_wait3A_919 : memref<1x!tpu.dma_semaphore, #tpu.memory_space<semaphore_mem>> -> memref<!tpu.dma_semaphore, #tpu.memory_space<semaphore_mem>>
      %dma_wait3A_921 = arith.constant 0 : i32
      %dma_wait3A_922 = tpu.memref_slice %arg4[%mul3A_909, %mul3A_2, %dma_wait3A_921] : memref<50x4096x128xf32, #tpu.memory_space<hbm>> -> memref<1x128x128xf32, #tpu.memory_space<hbm>>
      %dma_wait3A_923 = arith.constant 0 : i32
      %dma_wait3A_924 = arith.constant 0 : i32
      %dma_wait3A_925 = arith.constant 0 : i32
      %dma_wait3A_926 = tpu.memref_slice %arg6[%dma_wait3A_910, %dma_wait3A_923, %dma_wait3A_924, %dma_wait3A_925] : memref<7x1x128x128xf32, #tpu.memory_space<vmem>> -> memref<1x1x128x128xf32, #tpu.memory_space<vmem>>
      %dma_wait3A_927 = tpu.memref_squeeze %dma_wait3A_926 : memref<1x1x128x128xf32, #tpu.memory_space<vmem>> -> memref<1x128x128xf32, #tpu.memory_space<vmem>>
      tpu.wait_dma2 semaphore(%dma_wait3A_920 : memref<!tpu.dma_semaphore, #tpu.memory_space<semaphore_mem>>) src(%dma_wait3A_927 : memref<1x128x128xf32, #tpu.memory_space<vmem>>) dst(%dma_wait3A_922 : memref<1x128x128xf32, #tpu.memory_space<hbm>>)
      %add3A_928 = arith.constant 5 : i32
      %add3A_929 = arith.addi %add3A_864, %add3A_928 : i32
      %mul3A_930 = arith.constant 1 : i32
      %mul3A_931 = arith.muli %add3A_929, %mul3A_930 : i32
      %add3A_932 = arith.constant 0 : i32
      %add3A_933 = arith.addi %mul3A_931, %add3A_932 : i32
      %dma_start3A_934 = arith.constant 3 : i32
      %dma_start3A_935 = arith.constant 0 : i32
      %dma_start3A_936 = arith.constant 3 : i32
      %dma_start3A_937 = arith.constant 0 : i32
      %dma_start3A_938 = arith.constant 0 : i32
      %dma_start3A_939 = tpu.memref_slice %arg6[%dma_start3A_934, %dma_start3A_935, %dma_start3A_937, %dma_start3A_938] : memref<7x1x128x128xf32, #tpu.memory_space<vmem>> -> memref<1x1x128x128xf32, #tpu.memory_space<vmem>>
      %dma_start3A_940 = tpu.memref_squeeze %dma_start3A_939 : memref<1x1x128x128xf32, #tpu.memory_space<vmem>> -> memref<128x128xf32, #tpu.memory_space<vmem>>
      %dma_start3A_941 = arith.constant 0 : i32
      %dma_start3A_942 = tpu.memref_slice %arg5[%add3A_933, %dma_start3A_941] : memref<50x128xi32, #tpu.memory_space<vmem>> -> memref<1x128xi32, #tpu.memory_space<vmem>>
      %dma_start3A_943 = tpu.memref_squeeze %dma_start3A_942 : memref<1x128xi32, #tpu.memory_space<vmem>> -> memref<128xi32, #tpu.memory_space<vmem>>
      %dma_start3A_944 = arith.constant 0 : i32
      %dma_start3A_945 = arith.constant 0 : i32
      %dma_start3A_946 = tpu.memref_slice %arg3[%dma_start3A_944, %dma_start3A_945] : memref<100000x128xf32, #tpu.memory_space<hbm>> -> memref<100000x128xf32, #tpu.memory_space<hbm>>
      %dma_start3A_947 = tpu.memref_slice %arg7[%dma_start3A_936] : memref<7x!tpu.dma_semaphore, #tpu.memory_space<semaphore_mem>> -> memref<1x!tpu.dma_semaphore, #tpu.memory_space<semaphore_mem>>
      %dma_start3A_948 = tpu.memref_squeeze %dma_start3A_947 : memref<1x!tpu.dma_semaphore, #tpu.memory_space<semaphore_mem>> -> memref<!tpu.dma_semaphore, #tpu.memory_space<semaphore_mem>>
      tpu.enqueue_indirect_dma source(%dma_start3A_946 : memref<100000x128xf32, #tpu.memory_space<hbm>>) target(%dma_start3A_940 : memref<128x128xf32, #tpu.memory_space<vmem>>) offsets(%dma_start3A_943 : memref<128xi32, #tpu.memory_space<vmem>>) semaphore(%dma_start3A_948 : memref<!tpu.dma_semaphore, #tpu.memory_space<semaphore_mem>>)
      %add3A_949 = arith.constant 4 : i32
      %add3A_950 = arith.addi %add3A_605, %add3A_949 : i32
      %mul3A_951 = arith.constant 1 : i32
      %mul3A_952 = arith.muli %add3A_950, %mul3A_951 : i32
      %add3A_953 = arith.constant 0 : i32
      %add3A_954 = arith.addi %mul3A_952, %add3A_953 : i32
      %dma_wait3A_955 = arith.constant 6 : i32
      %dma_wait3A_956 = arith.constant 0 : i32
      %dma_wait3A_957 = arith.constant 6 : i32
      %dma_wait3A_958 = arith.constant 0 : i32
      %dma_wait3A_959 = arith.constant 0 : i32
      %dma_wait3A_960 = tpu.memref_slice %arg6[%dma_wait3A_955, %dma_wait3A_956, %dma_wait3A_958, %dma_wait3A_959] : memref<7x1x128x128xf32, #tpu.memory_space<vmem>> -> memref<1x1x128x128xf32, #tpu.memory_space<vmem>>
      %dma_wait3A_961 = tpu.memref_squeeze %dma_wait3A_960 : memref<1x1x128x128xf32, #tpu.memory_space<vmem>> -> memref<128x128xf32, #tpu.memory_space<vmem>>
      %dma_wait3A_962 = arith.constant 0 : i32
      %dma_wait3A_963 = tpu.memref_slice %arg5[%add3A_954, %dma_wait3A_962] : memref<50x128xi32, #tpu.memory_space<vmem>> -> memref<1x128xi32, #tpu.memory_space<vmem>>
      %dma_wait3A_964 = tpu.memref_squeeze %dma_wait3A_963 : memref<1x128xi32, #tpu.memory_space<vmem>> -> memref<128xi32, #tpu.memory_space<vmem>>
      %dma_wait3A_965 = arith.constant 0 : i32
      %dma_wait3A_966 = arith.constant 0 : i32
      %dma_wait3A_967 = tpu.memref_slice %arg3[%dma_wait3A_965, %dma_wait3A_966] : memref<100000x128xf32, #tpu.memory_space<hbm>> -> memref<100000x128xf32, #tpu.memory_space<hbm>>
      %dma_wait3A_968 = tpu.memref_slice %arg7[%dma_wait3A_957] : memref<7x!tpu.dma_semaphore, #tpu.memory_space<semaphore_mem>> -> memref<1x!tpu.dma_semaphore, #tpu.memory_space<semaphore_mem>>
      %dma_wait3A_969 = tpu.memref_squeeze %dma_wait3A_968 : memref<1x!tpu.dma_semaphore, #tpu.memory_space<semaphore_mem>> -> memref<!tpu.dma_semaphore, #tpu.memory_space<semaphore_mem>>
      tpu.wait_indirect_dma semaphore(%dma_wait3A_969 : memref<!tpu.dma_semaphore, #tpu.memory_space<semaphore_mem>>) src(%dma_wait3A_967 : memref<100000x128xf32, #tpu.memory_space<hbm>>) dst(%dma_wait3A_961 : memref<128x128xf32, #tpu.memory_space<vmem>>)
      %mul3A_970 = arith.constant 1 : i32
      %mul3A_971 = arith.muli %add3A_950, %mul3A_970 : i32
      %dma_start3A_972 = arith.constant 6 : i32
      %dma_start3A_973 = arith.constant 6 : i32
      %dma_start3A_974 = arith.constant 0 : i32
      %dma_start3A_975 = arith.constant 0 : i32
      %dma_start3A_976 = arith.constant 0 : i32
      %dma_start3A_977 = tpu.memref_slice %arg6[%dma_start3A_972, %dma_start3A_974, %dma_start3A_975, %dma_start3A_976] : memref<7x1x128x128xf32, #tpu.memory_space<vmem>> -> memref<1x1x128x128xf32, #tpu.memory_space<vmem>>
      %dma_start3A_978 = tpu.memref_squeeze %dma_start3A_977 : memref<1x1x128x128xf32, #tpu.memory_space<vmem>> -> memref<1x128x128xf32, #tpu.memory_space<vmem>>
      %dma_start3A_979 = arith.constant 0 : i32
      %dma_start3A_980 = tpu.memref_slice %arg4[%mul3A_971, %mul3A_2, %dma_start3A_979] : memref<50x4096x128xf32, #tpu.memory_space<hbm>> -> memref<1x128x128xf32, #tpu.memory_space<hbm>>
      %dma_start3A_981 = tpu.memref_slice %arg8[%dma_start3A_973] : memref<7x!tpu.dma_semaphore, #tpu.memory_space<semaphore_mem>> -> memref<1x!tpu.dma_semaphore, #tpu.memory_space<semaphore_mem>>
      %dma_start3A_982 = tpu.memref_squeeze %dma_start3A_981 : memref<1x!tpu.dma_semaphore, #tpu.memory_space<semaphore_mem>> -> memref<!tpu.dma_semaphore, #tpu.memory_space<semaphore_mem>>
      %dma_start3A_983 = arith.constant 0 : i32
      %dma_start3A_984 = tpu.memref_slice %arg4[%mul3A_971, %mul3A_2, %dma_start3A_983] : memref<50x4096x128xf32, #tpu.memory_space<hbm>> -> memref<1x128x128xf32, #tpu.memory_space<hbm>>
      %dma_start3A_985 = arith.constant 0 : i32
      %dma_start3A_986 = arith.constant 0 : i32
      %dma_start3A_987 = arith.constant 0 : i32
      %dma_start3A_988 = tpu.memref_slice %arg6[%dma_start3A_972, %dma_start3A_985, %dma_start3A_986, %dma_start3A_987] : memref<7x1x128x128xf32, #tpu.memory_space<vmem>> -> memref<1x1x128x128xf32, #tpu.memory_space<vmem>>
      %dma_start3A_989 = tpu.memref_squeeze %dma_start3A_988 : memref<1x1x128x128xf32, #tpu.memory_space<vmem>> -> memref<1x128x128xf32, #tpu.memory_space<vmem>>
      tpu.enqueue_dma source(%dma_start3A_989 : memref<1x128x128xf32, #tpu.memory_space<vmem>>) target(%dma_start3A_984 : memref<1x128x128xf32, #tpu.memory_space<hbm>>) target_semaphore(%dma_start3A_982 : memref<!tpu.dma_semaphore, #tpu.memory_space<semaphore_mem>>)
      %add3A_990 = arith.constant 5 : i32
      %add3A_991 = arith.addi %add3A_950, %add3A_990 : i32
      %sub3A_992 = arith.constant 7 : i32
      %sub3A_993 = arith.subi %add3A_991, %sub3A_992 : i32
      %mul3A_994 = arith.constant 1 : i32
      %mul3A_995 = arith.muli %sub3A_993, %mul3A_994 : i32
      %dma_wait3A_996 = arith.constant 4 : i32
      %dma_wait3A_997 = arith.constant 4 : i32
      %dma_wait3A_998 = arith.constant 0 : i32
      %dma_wait3A_999 = arith.constant 0 : i32
      %dma_wait3A_1000 = arith.constant 0 : i32
      %dma_wait3A_1001 = tpu.memref_slice %arg6[%dma_wait3A_996, %dma_wait3A_998, %dma_wait3A_999, %dma_wait3A_1000] : memref<7x1x128x128xf32, #tpu.memory_space<vmem>> -> memref<1x1x128x128xf32, #tpu.memory_space<vmem>>
      %dma_wait3A_1002 = tpu.memref_squeeze %dma_wait3A_1001 : memref<1x1x128x128xf32, #tpu.memory_space<vmem>> -> memref<1x128x128xf32, #tpu.memory_space<vmem>>
      %dma_wait3A_1003 = arith.constant 0 : i32
      %dma_wait3A_1004 = tpu.memref_slice %arg4[%mul3A_995, %mul3A_2, %dma_wait3A_1003] : memref<50x4096x128xf32, #tpu.memory_space<hbm>> -> memref<1x128x128xf32, #tpu.memory_space<hbm>>
      %dma_wait3A_1005 = tpu.memref_slice %arg8[%dma_wait3A_997] : memref<7x!tpu.dma_semaphore, #tpu.memory_space<semaphore_mem>> -> memref<1x!tpu.dma_semaphore, #tpu.memory_space<semaphore_mem>>
      %dma_wait3A_1006 = tpu.memref_squeeze %dma_wait3A_1005 : memref<1x!tpu.dma_semaphore, #tpu.memory_space<semaphore_mem>> -> memref<!tpu.dma_semaphore, #tpu.memory_space<semaphore_mem>>
      %dma_wait3A_1007 = arith.constant 0 : i32
      %dma_wait3A_1008 = tpu.memref_slice %arg4[%mul3A_995, %mul3A_2, %dma_wait3A_1007] : memref<50x4096x128xf32, #tpu.memory_space<hbm>> -> memref<1x128x128xf32, #tpu.memory_space<hbm>>
      %dma_wait3A_1009 = arith.constant 0 : i32
      %dma_wait3A_1010 = arith.constant 0 : i32
      %dma_wait3A_1011 = arith.constant 0 : i32
      %dma_wait3A_1012 = tpu.memref_slice %arg6[%dma_wait3A_996, %dma_wait3A_1009, %dma_wait3A_1010, %dma_wait3A_1011] : memref<7x1x128x128xf32, #tpu.memory_space<vmem>> -> memref<1x1x128x128xf32, #tpu.memory_space<vmem>>
      %dma_wait3A_1013 = tpu.memref_squeeze %dma_wait3A_1012 : memref<1x1x128x128xf32, #tpu.memory_space<vmem>> -> memref<1x128x128xf32, #tpu.memory_space<vmem>>
      tpu.wait_dma2 semaphore(%dma_wait3A_1006 : memref<!tpu.dma_semaphore, #tpu.memory_space<semaphore_mem>>) src(%dma_wait3A_1013 : memref<1x128x128xf32, #tpu.memory_space<vmem>>) dst(%dma_wait3A_1008 : memref<1x128x128xf32, #tpu.memory_space<hbm>>)
      %add3A_1014 = arith.constant 5 : i32
      %add3A_1015 = arith.addi %add3A_950, %add3A_1014 : i32
      %mul3A_1016 = arith.constant 1 : i32
      %mul3A_1017 = arith.muli %add3A_1015, %mul3A_1016 : i32
      %add3A_1018 = arith.constant 0 : i32
      %add3A_1019 = arith.addi %mul3A_1017, %add3A_1018 : i32
      %dma_start3A_1020 = arith.constant 4 : i32
      %dma_start3A_1021 = arith.constant 0 : i32
      %dma_start3A_1022 = arith.constant 4 : i32
      %dma_start3A_1023 = arith.constant 0 : i32
      %dma_start3A_1024 = arith.constant 0 : i32
      %dma_start3A_1025 = tpu.memref_slice %arg6[%dma_start3A_1020, %dma_start3A_1021, %dma_start3A_1023, %dma_start3A_1024] : memref<7x1x128x128xf32, #tpu.memory_space<vmem>> -> memref<1x1x128x128xf32, #tpu.memory_space<vmem>>
      %dma_start3A_1026 = tpu.memref_squeeze %dma_start3A_1025 : memref<1x1x128x128xf32, #tpu.memory_space<vmem>> -> memref<128x128xf32, #tpu.memory_space<vmem>>
      %dma_start3A_1027 = arith.constant 0 : i32
      %dma_start3A_1028 = tpu.memref_slice %arg5[%add3A_1019, %dma_start3A_1027] : memref<50x128xi32, #tpu.memory_space<vmem>> -> memref<1x128xi32, #tpu.memory_space<vmem>>
      %dma_start3A_1029 = tpu.memref_squeeze %dma_start3A_1028 : memref<1x128xi32, #tpu.memory_space<vmem>> -> memref<128xi32, #tpu.memory_space<vmem>>
      %dma_start3A_1030 = arith.constant 0 : i32
      %dma_start3A_1031 = arith.constant 0 : i32
      %dma_start3A_1032 = tpu.memref_slice %arg3[%dma_start3A_1030, %dma_start3A_1031] : memref<100000x128xf32, #tpu.memory_space<hbm>> -> memref<100000x128xf32, #tpu.memory_space<hbm>>
      %dma_start3A_1033 = tpu.memref_slice %arg7[%dma_start3A_1022] : memref<7x!tpu.dma_semaphore, #tpu.memory_space<semaphore_mem>> -> memref<1x!tpu.dma_semaphore, #tpu.memory_space<semaphore_mem>>
      %dma_start3A_1034 = tpu.memref_squeeze %dma_start3A_1033 : memref<1x!tpu.dma_semaphore, #tpu.memory_space<semaphore_mem>> -> memref<!tpu.dma_semaphore, #tpu.memory_space<semaphore_mem>>
      tpu.enqueue_indirect_dma source(%dma_start3A_1032 : memref<100000x128xf32, #tpu.memory_space<hbm>>) target(%dma_start3A_1026 : memref<128x128xf32, #tpu.memory_space<vmem>>) offsets(%dma_start3A_1029 : memref<128xi32, #tpu.memory_space<vmem>>) semaphore(%dma_start3A_1034 : memref<!tpu.dma_semaphore, #tpu.memory_space<semaphore_mem>>)
      %add3A_1035 = arith.constant 5 : i32
      %add3A_1036 = arith.addi %add3A_605, %add3A_1035 : i32
      %mul3A_1037 = arith.constant 1 : i32
      %mul3A_1038 = arith.muli %add3A_1036, %mul3A_1037 : i32
      %add3A_1039 = arith.constant 0 : i32
      %add3A_1040 = arith.addi %mul3A_1038, %add3A_1039 : i32
      %dma_wait3A_1041 = arith.constant 0 : i32
      %dma_wait3A_1042 = arith.constant 0 : i32
      %dma_wait3A_1043 = arith.constant 0 : i32
      %dma_wait3A_1044 = arith.constant 0 : i32
      %dma_wait3A_1045 = arith.constant 0 : i32
      %dma_wait3A_1046 = tpu.memref_slice %arg6[%dma_wait3A_1041, %dma_wait3A_1042, %dma_wait3A_1044, %dma_wait3A_1045] : memref<7x1x128x128xf32, #tpu.memory_space<vmem>> -> memref<1x1x128x128xf32, #tpu.memory_space<vmem>>
      %dma_wait3A_1047 = tpu.memref_squeeze %dma_wait3A_1046 : memref<1x1x128x128xf32, #tpu.memory_space<vmem>> -> memref<128x128xf32, #tpu.memory_space<vmem>>
      %dma_wait3A_1048 = arith.constant 0 : i32
      %dma_wait3A_1049 = tpu.memref_slice %arg5[%add3A_1040, %dma_wait3A_1048] : memref<50x128xi32, #tpu.memory_space<vmem>> -> memref<1x128xi32, #tpu.memory_space<vmem>>
      %dma_wait3A_1050 = tpu.memref_squeeze %dma_wait3A_1049 : memref<1x128xi32, #tpu.memory_space<vmem>> -> memref<128xi32, #tpu.memory_space<vmem>>
      %dma_wait3A_1051 = arith.constant 0 : i32
      %dma_wait3A_1052 = arith.constant 0 : i32
      %dma_wait3A_1053 = tpu.memref_slice %arg3[%dma_wait3A_1051, %dma_wait3A_1052] : memref<100000x128xf32, #tpu.memory_space<hbm>> -> memref<100000x128xf32, #tpu.memory_space<hbm>>
      %dma_wait3A_1054 = tpu.memref_slice %arg7[%dma_wait3A_1043] : memref<7x!tpu.dma_semaphore, #tpu.memory_space<semaphore_mem>> -> memref<1x!tpu.dma_semaphore, #tpu.memory_space<semaphore_mem>>
      %dma_wait3A_1055 = tpu.memref_squeeze %dma_wait3A_1054 : memref<1x!tpu.dma_semaphore, #tpu.memory_space<semaphore_mem>> -> memref<!tpu.dma_semaphore, #tpu.memory_space<semaphore_mem>>
      tpu.wait_indirect_dma semaphore(%dma_wait3A_1055 : memref<!tpu.dma_semaphore, #tpu.memory_space<semaphore_mem>>) src(%dma_wait3A_1053 : memref<100000x128xf32, #tpu.memory_space<hbm>>) dst(%dma_wait3A_1047 : memref<128x128xf32, #tpu.memory_space<vmem>>)
      %mul3A_1056 = arith.constant 1 : i32
      %mul3A_1057 = arith.muli %add3A_1036, %mul3A_1056 : i32
      %dma_start3A_1058 = arith.constant 0 : i32
      %dma_start3A_1059 = arith.constant 0 : i32
      %dma_start3A_1060 = arith.constant 0 : i32
      %dma_start3A_1061 = arith.constant 0 : i32
      %dma_start3A_1062 = arith.constant 0 : i32
      %dma_start3A_1063 = tpu.memref_slice %arg6[%dma_start3A_1058, %dma_start3A_1060, %dma_start3A_1061, %dma_start3A_1062] : memref<7x1x128x128xf32, #tpu.memory_space<vmem>> -> memref<1x1x128x128xf32, #tpu.memory_space<vmem>>
      %dma_start3A_1064 = tpu.memref_squeeze %dma_start3A_1063 : memref<1x1x128x128xf32, #tpu.memory_space<vmem>> -> memref<1x128x128xf32, #tpu.memory_space<vmem>>
      %dma_start3A_1065 = arith.constant 0 : i32
      %dma_start3A_1066 = tpu.memref_slice %arg4[%mul3A_1057, %mul3A_2, %dma_start3A_1065] : memref<50x4096x128xf32, #tpu.memory_space<hbm>> -> memref<1x128x128xf32, #tpu.memory_space<hbm>>
      %dma_start3A_1067 = tpu.memref_slice %arg8[%dma_start3A_1059] : memref<7x!tpu.dma_semaphore, #tpu.memory_space<semaphore_mem>> -> memref<1x!tpu.dma_semaphore, #tpu.memory_space<semaphore_mem>>
      %dma_start3A_1068 = tpu.memref_squeeze %dma_start3A_1067 : memref<1x!tpu.dma_semaphore, #tpu.memory_space<semaphore_mem>> -> memref<!tpu.dma_semaphore, #tpu.memory_space<semaphore_mem>>
      %dma_start3A_1069 = arith.constant 0 : i32
      %dma_start3A_1070 = tpu.memref_slice %arg4[%mul3A_1057, %mul3A_2, %dma_start3A_1069] : memref<50x4096x128xf32, #tpu.memory_space<hbm>> -> memref<1x128x128xf32, #tpu.memory_space<hbm>>
      %dma_start3A_1071 = arith.constant 0 : i32
      %dma_start3A_1072 = arith.constant 0 : i32
      %dma_start3A_1073 = arith.constant 0 : i32
      %dma_start3A_1074 = tpu.memref_slice %arg6[%dma_start3A_1058, %dma_start3A_1071, %dma_start3A_1072, %dma_start3A_1073] : memref<7x1x128x128xf32, #tpu.memory_space<vmem>> -> memref<1x1x128x128xf32, #tpu.memory_space<vmem>>
      %dma_start3A_1075 = tpu.memref_squeeze %dma_start3A_1074 : memref<1x1x128x128xf32, #tpu.memory_space<vmem>> -> memref<1x128x128xf32, #tpu.memory_space<vmem>>
      tpu.enqueue_dma source(%dma_start3A_1075 : memref<1x128x128xf32, #tpu.memory_space<vmem>>) target(%dma_start3A_1070 : memref<1x128x128xf32, #tpu.memory_space<hbm>>) target_semaphore(%dma_start3A_1068 : memref<!tpu.dma_semaphore, #tpu.memory_space<semaphore_mem>>)
      %add3A_1076 = arith.constant 5 : i32
      %add3A_1077 = arith.addi %add3A_1036, %add3A_1076 : i32
      %sub3A_1078 = arith.constant 7 : i32
      %sub3A_1079 = arith.subi %add3A_1077, %sub3A_1078 : i32
      %mul3A_1080 = arith.constant 1 : i32
      %mul3A_1081 = arith.muli %sub3A_1079, %mul3A_1080 : i32
      %dma_wait3A_1082 = arith.constant 5 : i32
      %dma_wait3A_1083 = arith.constant 5 : i32
      %dma_wait3A_1084 = arith.constant 0 : i32
      %dma_wait3A_1085 = arith.constant 0 : i32
      %dma_wait3A_1086 = arith.constant 0 : i32
      %dma_wait3A_1087 = tpu.memref_slice %arg6[%dma_wait3A_1082, %dma_wait3A_1084, %dma_wait3A_1085, %dma_wait3A_1086] : memref<7x1x128x128xf32, #tpu.memory_space<vmem>> -> memref<1x1x128x128xf32, #tpu.memory_space<vmem>>
      %dma_wait3A_1088 = tpu.memref_squeeze %dma_wait3A_1087 : memref<1x1x128x128xf32, #tpu.memory_space<vmem>> -> memref<1x128x128xf32, #tpu.memory_space<vmem>>
      %dma_wait3A_1089 = arith.constant 0 : i32
      %dma_wait3A_1090 = tpu.memref_slice %arg4[%mul3A_1081, %mul3A_2, %dma_wait3A_1089] : memref<50x4096x128xf32, #tpu.memory_space<hbm>> -> memref<1x128x128xf32, #tpu.memory_space<hbm>>
      %dma_wait3A_1091 = tpu.memref_slice %arg8[%dma_wait3A_1083] : memref<7x!tpu.dma_semaphore, #tpu.memory_space<semaphore_mem>> -> memref<1x!tpu.dma_semaphore, #tpu.memory_space<semaphore_mem>>
      %dma_wait3A_1092 = tpu.memref_squeeze %dma_wait3A_1091 : memref<1x!tpu.dma_semaphore, #tpu.memory_space<semaphore_mem>> -> memref<!tpu.dma_semaphore, #tpu.memory_space<semaphore_mem>>
      %dma_wait3A_1093 = arith.constant 0 : i32
      %dma_wait3A_1094 = tpu.memref_slice %arg4[%mul3A_1081, %mul3A_2, %dma_wait3A_1093] : memref<50x4096x128xf32, #tpu.memory_space<hbm>> -> memref<1x128x128xf32, #tpu.memory_space<hbm>>
      %dma_wait3A_1095 = arith.constant 0 : i32
      %dma_wait3A_1096 = arith.constant 0 : i32
      %dma_wait3A_1097 = arith.constant 0 : i32
      %dma_wait3A_1098 = tpu.memref_slice %arg6[%dma_wait3A_1082, %dma_wait3A_1095, %dma_wait3A_1096, %dma_wait3A_1097] : memref<7x1x128x128xf32, #tpu.memory_space<vmem>> -> memref<1x1x128x128xf32, #tpu.memory_space<vmem>>
      %dma_wait3A_1099 = tpu.memref_squeeze %dma_wait3A_1098 : memref<1x1x128x128xf32, #tpu.memory_space<vmem>> -> memref<1x128x128xf32, #tpu.memory_space<vmem>>
      tpu.wait_dma2 semaphore(%dma_wait3A_1092 : memref<!tpu.dma_semaphore, #tpu.memory_space<semaphore_mem>>) src(%dma_wait3A_1099 : memref<1x128x128xf32, #tpu.memory_space<vmem>>) dst(%dma_wait3A_1094 : memref<1x128x128xf32, #tpu.memory_space<hbm>>)
      %add3A_1100 = arith.constant 5 : i32
      %add3A_1101 = arith.addi %add3A_1036, %add3A_1100 : i32
      %mul3A_1102 = arith.constant 1 : i32
      %mul3A_1103 = arith.muli %add3A_1101, %mul3A_1102 : i32
      %add3A_1104 = arith.constant 0 : i32
      %add3A_1105 = arith.addi %mul3A_1103, %add3A_1104 : i32
      %dma_start3A_1106 = arith.constant 5 : i32
      %dma_start3A_1107 = arith.constant 0 : i32
      %dma_start3A_1108 = arith.constant 5 : i32
      %dma_start3A_1109 = arith.constant 0 : i32
      %dma_start3A_1110 = arith.constant 0 : i32
      %dma_start3A_1111 = tpu.memref_slice %arg6[%dma_start3A_1106, %dma_start3A_1107, %dma_start3A_1109, %dma_start3A_1110] : memref<7x1x128x128xf32, #tpu.memory_space<vmem>> -> memref<1x1x128x128xf32, #tpu.memory_space<vmem>>
      %dma_start3A_1112 = tpu.memref_squeeze %dma_start3A_1111 : memref<1x1x128x128xf32, #tpu.memory_space<vmem>> -> memref<128x128xf32, #tpu.memory_space<vmem>>
      %dma_start3A_1113 = arith.constant 0 : i32
      %dma_start3A_1114 = tpu.memref_slice %arg5[%add3A_1105, %dma_start3A_1113] : memref<50x128xi32, #tpu.memory_space<vmem>> -> memref<1x128xi32, #tpu.memory_space<vmem>>
      %dma_start3A_1115 = tpu.memref_squeeze %dma_start3A_1114 : memref<1x128xi32, #tpu.memory_space<vmem>> -> memref<128xi32, #tpu.memory_space<vmem>>
      %dma_start3A_1116 = arith.constant 0 : i32
      %dma_start3A_1117 = arith.constant 0 : i32
      %dma_start3A_1118 = tpu.memref_slice %arg3[%dma_start3A_1116, %dma_start3A_1117] : memref<100000x128xf32, #tpu.memory_space<hbm>> -> memref<100000x128xf32, #tpu.memory_space<hbm>>
      %dma_start3A_1119 = tpu.memref_slice %arg7[%dma_start3A_1108] : memref<7x!tpu.dma_semaphore, #tpu.memory_space<semaphore_mem>> -> memref<1x!tpu.dma_semaphore, #tpu.memory_space<semaphore_mem>>
      %dma_start3A_1120 = tpu.memref_squeeze %dma_start3A_1119 : memref<1x!tpu.dma_semaphore, #tpu.memory_space<semaphore_mem>> -> memref<!tpu.dma_semaphore, #tpu.memory_space<semaphore_mem>>
      tpu.enqueue_indirect_dma source(%dma_start3A_1118 : memref<100000x128xf32, #tpu.memory_space<hbm>>) target(%dma_start3A_1112 : memref<128x128xf32, #tpu.memory_space<vmem>>) offsets(%dma_start3A_1115 : memref<128xi32, #tpu.memory_space<vmem>>) semaphore(%dma_start3A_1120 : memref<!tpu.dma_semaphore, #tpu.memory_space<semaphore_mem>>)
      %add3A_1121 = arith.constant 6 : i32
      %add3A_1122 = arith.addi %add3A_605, %add3A_1121 : i32
      %mul3A_1123 = arith.constant 1 : i32
      %mul3A_1124 = arith.muli %add3A_1122, %mul3A_1123 : i32
      %add3A_1125 = arith.constant 0 : i32
      %add3A_1126 = arith.addi %mul3A_1124, %add3A_1125 : i32
      %dma_wait3A_1127 = arith.constant 1 : i32
      %dma_wait3A_1128 = arith.constant 0 : i32
      %dma_wait3A_1129 = arith.constant 1 : i32
      %dma_wait3A_1130 = arith.constant 0 : i32
      %dma_wait3A_1131 = arith.constant 0 : i32
      %dma_wait3A_1132 = tpu.memref_slice %arg6[%dma_wait3A_1127, %dma_wait3A_1128, %dma_wait3A_1130, %dma_wait3A_1131] : memref<7x1x128x128xf32, #tpu.memory_space<vmem>> -> memref<1x1x128x128xf32, #tpu.memory_space<vmem>>
      %dma_wait3A_1133 = tpu.memref_squeeze %dma_wait3A_1132 : memref<1x1x128x128xf32, #tpu.memory_space<vmem>> -> memref<128x128xf32, #tpu.memory_space<vmem>>
      %dma_wait3A_1134 = arith.constant 0 : i32
      %dma_wait3A_1135 = tpu.memref_slice %arg5[%add3A_1126, %dma_wait3A_1134] : memref<50x128xi32, #tpu.memory_space<vmem>> -> memref<1x128xi32, #tpu.memory_space<vmem>>
      %dma_wait3A_1136 = tpu.memref_squeeze %dma_wait3A_1135 : memref<1x128xi32, #tpu.memory_space<vmem>> -> memref<128xi32, #tpu.memory_space<vmem>>
      %dma_wait3A_1137 = arith.constant 0 : i32
      %dma_wait3A_1138 = arith.constant 0 : i32
      %dma_wait3A_1139 = tpu.memref_slice %arg3[%dma_wait3A_1137, %dma_wait3A_1138] : memref<100000x128xf32, #tpu.memory_space<hbm>> -> memref<100000x128xf32, #tpu.memory_space<hbm>>
      %dma_wait3A_1140 = tpu.memref_slice %arg7[%dma_wait3A_1129] : memref<7x!tpu.dma_semaphore, #tpu.memory_space<semaphore_mem>> -> memref<1x!tpu.dma_semaphore, #tpu.memory_space<semaphore_mem>>
      %dma_wait3A_1141 = tpu.memref_squeeze %dma_wait3A_1140 : memref<1x!tpu.dma_semaphore, #tpu.memory_space<semaphore_mem>> -> memref<!tpu.dma_semaphore, #tpu.memory_space<semaphore_mem>>
      tpu.wait_indirect_dma semaphore(%dma_wait3A_1141 : memref<!tpu.dma_semaphore, #tpu.memory_space<semaphore_mem>>) src(%dma_wait3A_1139 : memref<100000x128xf32, #tpu.memory_space<hbm>>) dst(%dma_wait3A_1133 : memref<128x128xf32, #tpu.memory_space<vmem>>)
      %mul3A_1142 = arith.constant 1 : i32
      %mul3A_1143 = arith.muli %add3A_1122, %mul3A_1142 : i32
      %dma_start3A_1144 = arith.constant 1 : i32
      %dma_start3A_1145 = arith.constant 1 : i32
      %dma_start3A_1146 = arith.constant 0 : i32
      %dma_start3A_1147 = arith.constant 0 : i32
      %dma_start3A_1148 = arith.constant 0 : i32
      %dma_start3A_1149 = tpu.memref_slice %arg6[%dma_start3A_1144, %dma_start3A_1146, %dma_start3A_1147, %dma_start3A_1148] : memref<7x1x128x128xf32, #tpu.memory_space<vmem>> -> memref<1x1x128x128xf32, #tpu.memory_space<vmem>>
      %dma_start3A_1150 = tpu.memref_squeeze %dma_start3A_1149 : memref<1x1x128x128xf32, #tpu.memory_space<vmem>> -> memref<1x128x128xf32, #tpu.memory_space<vmem>>
      %dma_start3A_1151 = arith.constant 0 : i32
      %dma_start3A_1152 = tpu.memref_slice %arg4[%mul3A_1143, %mul3A_2, %dma_start3A_1151] : memref<50x4096x128xf32, #tpu.memory_space<hbm>> -> memref<1x128x128xf32, #tpu.memory_space<hbm>>
      %dma_start3A_1153 = tpu.memref_slice %arg8[%dma_start3A_1145] : memref<7x!tpu.dma_semaphore, #tpu.memory_space<semaphore_mem>> -> memref<1x!tpu.dma_semaphore, #tpu.memory_space<semaphore_mem>>
      %dma_start3A_1154 = tpu.memref_squeeze %dma_start3A_1153 : memref<1x!tpu.dma_semaphore, #tpu.memory_space<semaphore_mem>> -> memref<!tpu.dma_semaphore, #tpu.memory_space<semaphore_mem>>
      %dma_start3A_1155 = arith.constant 0 : i32
      %dma_start3A_1156 = tpu.memref_slice %arg4[%mul3A_1143, %mul3A_2, %dma_start3A_1155] : memref<50x4096x128xf32, #tpu.memory_space<hbm>> -> memref<1x128x128xf32, #tpu.memory_space<hbm>>
      %dma_start3A_1157 = arith.constant 0 : i32
      %dma_start3A_1158 = arith.constant 0 : i32
      %dma_start3A_1159 = arith.constant 0 : i32
      %dma_start3A_1160 = tpu.memref_slice %arg6[%dma_start3A_1144, %dma_start3A_1157, %dma_start3A_1158, %dma_start3A_1159] : memref<7x1x128x128xf32, #tpu.memory_space<vmem>> -> memref<1x1x128x128xf32, #tpu.memory_space<vmem>>
      %dma_start3A_1161 = tpu.memref_squeeze %dma_start3A_1160 : memref<1x1x128x128xf32, #tpu.memory_space<vmem>> -> memref<1x128x128xf32, #tpu.memory_space<vmem>>
      tpu.enqueue_dma source(%dma_start3A_1161 : memref<1x128x128xf32, #tpu.memory_space<vmem>>) target(%dma_start3A_1156 : memref<1x128x128xf32, #tpu.memory_space<hbm>>) target_semaphore(%dma_start3A_1154 : memref<!tpu.dma_semaphore, #tpu.memory_space<semaphore_mem>>)
      %add3A_1162 = arith.constant 5 : i32
      %add3A_1163 = arith.addi %add3A_1122, %add3A_1162 : i32
      %sub3A_1164 = arith.constant 7 : i32
      %sub3A_1165 = arith.subi %add3A_1163, %sub3A_1164 : i32
      %mul3A_1166 = arith.constant 1 : i32
      %mul3A_1167 = arith.muli %sub3A_1165, %mul3A_1166 : i32
      %dma_wait3A_1168 = arith.constant 6 : i32
      %dma_wait3A_1169 = arith.constant 6 : i32
      %dma_wait3A_1170 = arith.constant 0 : i32
      %dma_wait3A_1171 = arith.constant 0 : i32
      %dma_wait3A_1172 = arith.constant 0 : i32
      %dma_wait3A_1173 = tpu.memref_slice %arg6[%dma_wait3A_1168, %dma_wait3A_1170, %dma_wait3A_1171, %dma_wait3A_1172] : memref<7x1x128x128xf32, #tpu.memory_space<vmem>> -> memref<1x1x128x128xf32, #tpu.memory_space<vmem>>
      %dma_wait3A_1174 = tpu.memref_squeeze %dma_wait3A_1173 : memref<1x1x128x128xf32, #tpu.memory_space<vmem>> -> memref<1x128x128xf32, #tpu.memory_space<vmem>>
      %dma_wait3A_1175 = arith.constant 0 : i32
      %dma_wait3A_1176 = tpu.memref_slice %arg4[%mul3A_1167, %mul3A_2, %dma_wait3A_1175] : memref<50x4096x128xf32, #tpu.memory_space<hbm>> -> memref<1x128x128xf32, #tpu.memory_space<hbm>>
      %dma_wait3A_1177 = tpu.memref_slice %arg8[%dma_wait3A_1169] : memref<7x!tpu.dma_semaphore, #tpu.memory_space<semaphore_mem>> -> memref<1x!tpu.dma_semaphore, #tpu.memory_space<semaphore_mem>>
      %dma_wait3A_1178 = tpu.memref_squeeze %dma_wait3A_1177 : memref<1x!tpu.dma_semaphore, #tpu.memory_space<semaphore_mem>> -> memref<!tpu.dma_semaphore, #tpu.memory_space<semaphore_mem>>
      %dma_wait3A_1179 = arith.constant 0 : i32
      %dma_wait3A_1180 = tpu.memref_slice %arg4[%mul3A_1167, %mul3A_2, %dma_wait3A_1179] : memref<50x4096x128xf32, #tpu.memory_space<hbm>> -> memref<1x128x128xf32, #tpu.memory_space<hbm>>
      %dma_wait3A_1181 = arith.constant 0 : i32
      %dma_wait3A_1182 = arith.constant 0 : i32
      %dma_wait3A_1183 = arith.constant 0 : i32
      %dma_wait3A_1184 = tpu.memref_slice %arg6[%dma_wait3A_1168, %dma_wait3A_1181, %dma_wait3A_1182, %dma_wait3A_1183] : memref<7x1x128x128xf32, #tpu.memory_space<vmem>> -> memref<1x1x128x128xf32, #tpu.memory_space<vmem>>
      %dma_wait3A_1185 = tpu.memref_squeeze %dma_wait3A_1184 : memref<1x1x128x128xf32, #tpu.memory_space<vmem>> -> memref<1x128x128xf32, #tpu.memory_space<vmem>>
      tpu.wait_dma2 semaphore(%dma_wait3A_1178 : memref<!tpu.dma_semaphore, #tpu.memory_space<semaphore_mem>>) src(%dma_wait3A_1185 : memref<1x128x128xf32, #tpu.memory_space<vmem>>) dst(%dma_wait3A_1180 : memref<1x128x128xf32, #tpu.memory_space<hbm>>)
      %add3A_1186 = arith.constant 5 : i32
      %add3A_1187 = arith.addi %add3A_1122, %add3A_1186 : i32
      %mul3A_1188 = arith.constant 1 : i32
      %mul3A_1189 = arith.muli %add3A_1187, %mul3A_1188 : i32
      %add3A_1190 = arith.constant 0 : i32
      %add3A_1191 = arith.addi %mul3A_1189, %add3A_1190 : i32
      %dma_start3A_1192 = arith.constant 6 : i32
      %dma_start3A_1193 = arith.constant 0 : i32
      %dma_start3A_1194 = arith.constant 6 : i32
      %dma_start3A_1195 = arith.constant 0 : i32
      %dma_start3A_1196 = arith.constant 0 : i32
      %dma_start3A_1197 = tpu.memref_slice %arg6[%dma_start3A_1192, %dma_start3A_1193, %dma_start3A_1195, %dma_start3A_1196] : memref<7x1x128x128xf32, #tpu.memory_space<vmem>> -> memref<1x1x128x128xf32, #tpu.memory_space<vmem>>
      %dma_start3A_1198 = tpu.memref_squeeze %dma_start3A_1197 : memref<1x1x128x128xf32, #tpu.memory_space<vmem>> -> memref<128x128xf32, #tpu.memory_space<vmem>>
      %dma_start3A_1199 = arith.constant 0 : i32
      %dma_start3A_1200 = tpu.memref_slice %arg5[%add3A_1191, %dma_start3A_1199] : memref<50x128xi32, #tpu.memory_space<vmem>> -> memref<1x128xi32, #tpu.memory_space<vmem>>
      %dma_start3A_1201 = tpu.memref_squeeze %dma_start3A_1200 : memref<1x128xi32, #tpu.memory_space<vmem>> -> memref<128xi32, #tpu.memory_space<vmem>>
      %dma_start3A_1202 = arith.constant 0 : i32
      %dma_start3A_1203 = arith.constant 0 : i32
      %dma_start3A_1204 = tpu.memref_slice %arg3[%dma_start3A_1202, %dma_start3A_1203] : memref<100000x128xf32, #tpu.memory_space<hbm>> -> memref<100000x128xf32, #tpu.memory_space<hbm>>
      %dma_start3A_1205 = tpu.memref_slice %arg7[%dma_start3A_1194] : memref<7x!tpu.dma_semaphore, #tpu.memory_space<semaphore_mem>> -> memref<1x!tpu.dma_semaphore, #tpu.memory_space<semaphore_mem>>
      %dma_start3A_1206 = tpu.memref_squeeze %dma_start3A_1205 : memref<1x!tpu.dma_semaphore, #tpu.memory_space<semaphore_mem>> -> memref<!tpu.dma_semaphore, #tpu.memory_space<semaphore_mem>>
      tpu.enqueue_indirect_dma source(%dma_start3A_1204 : memref<100000x128xf32, #tpu.memory_space<hbm>>) target(%dma_start3A_1198 : memref<128x128xf32, #tpu.memory_space<vmem>>) offsets(%dma_start3A_1201 : memref<128xi32, #tpu.memory_space<vmem>>) semaphore(%dma_start3A_1206 : memref<!tpu.dma_semaphore, #tpu.memory_space<semaphore_mem>>)
    }
    %scan3A_208 = arith.constant 6 : i32
    %dma_wait3A_209 = arith.constant 44 : i32
    %dma_wait3A_210 = arith.constant 2 : i32
    %dma_wait3A_211 = arith.constant 0 : i32
    %dma_wait3A_212 = arith.constant 2 : i32
    %dma_wait3A_213 = arith.constant 0 : i32
    %dma_wait3A_214 = arith.constant 0 : i32
    %dma_wait3A_215 = tpu.memref_slice %arg6[%dma_wait3A_210, %dma_wait3A_211, %dma_wait3A_213, %dma_wait3A_214] : memref<7x1x128x128xf32, #tpu.memory_space<vmem>> -> memref<1x1x128x128xf32, #tpu.memory_space<vmem>>
    %dma_wait3A_216 = tpu.memref_squeeze %dma_wait3A_215 : memref<1x1x128x128xf32, #tpu.memory_space<vmem>> -> memref<128x128xf32, #tpu.memory_space<vmem>>
    %dma_wait3A_217 = arith.constant 0 : i32
    %dma_wait3A_218 = tpu.memref_slice %arg5[%dma_wait3A_209, %dma_wait3A_217] : memref<50x128xi32, #tpu.memory_space<vmem>> -> memref<1x128xi32, #tpu.memory_space<vmem>>
    %dma_wait3A_219 = tpu.memref_squeeze %dma_wait3A_218 : memref<1x128xi32, #tpu.memory_space<vmem>> -> memref<128xi32, #tpu.memory_space<vmem>>
    %dma_wait3A_220 = arith.constant 0 : i32
    %dma_wait3A_221 = arith.constant 0 : i32
    %dma_wait3A_222 = tpu.memref_slice %arg3[%dma_wait3A_220, %dma_wait3A_221] : memref<100000x128xf32, #tpu.memory_space<hbm>> -> memref<100000x128xf32, #tpu.memory_space<hbm>>
    %dma_wait3A_223 = tpu.memref_slice %arg7[%dma_wait3A_212] : memref<7x!tpu.dma_semaphore, #tpu.memory_space<semaphore_mem>> -> memref<1x!tpu.dma_semaphore, #tpu.memory_space<semaphore_mem>>
    %dma_wait3A_224 = tpu.memref_squeeze %dma_wait3A_223 : memref<1x!tpu.dma_semaphore, #tpu.memory_space<semaphore_mem>> -> memref<!tpu.dma_semaphore, #tpu.memory_space<semaphore_mem>>
    tpu.wait_indirect_dma semaphore(%dma_wait3A_224 : memref<!tpu.dma_semaphore, #tpu.memory_space<semaphore_mem>>) src(%dma_wait3A_222 : memref<100000x128xf32, #tpu.memory_space<hbm>>) dst(%dma_wait3A_216 : memref<128x128xf32, #tpu.memory_space<vmem>>)
    %dma_start3A_225 = arith.constant 2 : i32
    %dma_start3A_226 = arith.constant 2 : i32
    %dma_start3A_227 = arith.constant 0 : i32
    %dma_start3A_228 = arith.constant 0 : i32
    %dma_start3A_229 = arith.constant 0 : i32
    %dma_start3A_230 = tpu.memref_slice %arg6[%dma_start3A_225, %dma_start3A_227, %dma_start3A_228, %dma_start3A_229] : memref<7x1x128x128xf32, #tpu.memory_space<vmem>> -> memref<1x1x128x128xf32, #tpu.memory_space<vmem>>
    %dma_start3A_231 = tpu.memref_squeeze %dma_start3A_230 : memref<1x1x128x128xf32, #tpu.memory_space<vmem>> -> memref<1x128x128xf32, #tpu.memory_space<vmem>>
    %dma_start3A_232 = arith.constant 44 : i32
    %dma_start3A_233 = arith.constant 0 : i32
    %dma_start3A_234 = tpu.memref_slice %arg4[%dma_start3A_232, %mul3A_2, %dma_start3A_233] : memref<50x4096x128xf32, #tpu.memory_space<hbm>> -> memref<1x128x128xf32, #tpu.memory_space<hbm>>
    %dma_start3A_235 = tpu.memref_slice %arg8[%dma_start3A_226] : memref<7x!tpu.dma_semaphore, #tpu.memory_space<semaphore_mem>> -> memref<1x!tpu.dma_semaphore, #tpu.memory_space<semaphore_mem>>
    %dma_start3A_236 = tpu.memref_squeeze %dma_start3A_235 : memref<1x!tpu.dma_semaphore, #tpu.memory_space<semaphore_mem>> -> memref<!tpu.dma_semaphore, #tpu.memory_space<semaphore_mem>>
    %dma_start3A_237 = arith.constant 44 : i32
    %dma_start3A_238 = arith.constant 0 : i32
    %dma_start3A_239 = tpu.memref_slice %arg4[%dma_start3A_237, %mul3A_2, %dma_start3A_238] : memref<50x4096x128xf32, #tpu.memory_space<hbm>> -> memref<1x128x128xf32, #tpu.memory_space<hbm>>
    %dma_start3A_240 = arith.constant 0 : i32
    %dma_start3A_241 = arith.constant 0 : i32
    %dma_start3A_242 = arith.constant 0 : i32
    %dma_start3A_243 = tpu.memref_slice %arg6[%dma_start3A_225, %dma_start3A_240, %dma_start3A_241, %dma_start3A_242] : memref<7x1x128x128xf32, #tpu.memory_space<vmem>> -> memref<1x1x128x128xf32, #tpu.memory_space<vmem>>
    %dma_start3A_244 = tpu.memref_squeeze %dma_start3A_243 : memref<1x1x128x128xf32, #tpu.memory_space<vmem>> -> memref<1x128x128xf32, #tpu.memory_space<vmem>>
    tpu.enqueue_dma source(%dma_start3A_244 : memref<1x128x128xf32, #tpu.memory_space<vmem>>) target(%dma_start3A_239 : memref<1x128x128xf32, #tpu.memory_space<hbm>>) target_semaphore(%dma_start3A_236 : memref<!tpu.dma_semaphore, #tpu.memory_space<semaphore_mem>>)
    %dma_wait3A_245 = arith.constant 0 : i32
    %dma_wait3A_246 = arith.constant 0 : i32
    %dma_wait3A_247 = arith.constant 0 : i32
    %dma_wait3A_248 = arith.constant 0 : i32
    %dma_wait3A_249 = arith.constant 0 : i32
    %dma_wait3A_250 = tpu.memref_slice %arg6[%dma_wait3A_245, %dma_wait3A_247, %dma_wait3A_248, %dma_wait3A_249] : memref<7x1x128x128xf32, #tpu.memory_space<vmem>> -> memref<1x1x128x128xf32, #tpu.memory_space<vmem>>
    %dma_wait3A_251 = tpu.memref_squeeze %dma_wait3A_250 : memref<1x1x128x128xf32, #tpu.memory_space<vmem>> -> memref<1x128x128xf32, #tpu.memory_space<vmem>>
    %dma_wait3A_252 = arith.constant 42 : i32
    %dma_wait3A_253 = arith.constant 0 : i32
    %dma_wait3A_254 = tpu.memref_slice %arg4[%dma_wait3A_252, %mul3A_2, %dma_wait3A_253] : memref<50x4096x128xf32, #tpu.memory_space<hbm>> -> memref<1x128x128xf32, #tpu.memory_space<hbm>>
    %dma_wait3A_255 = tpu.memref_slice %arg8[%dma_wait3A_246] : memref<7x!tpu.dma_semaphore, #tpu.memory_space<semaphore_mem>> -> memref<1x!tpu.dma_semaphore, #tpu.memory_space<semaphore_mem>>
    %dma_wait3A_256 = tpu.memref_squeeze %dma_wait3A_255 : memref<1x!tpu.dma_semaphore, #tpu.memory_space<semaphore_mem>> -> memref<!tpu.dma_semaphore, #tpu.memory_space<semaphore_mem>>
    %dma_wait3A_257 = arith.constant 42 : i32
    %dma_wait3A_258 = arith.constant 0 : i32
    %dma_wait3A_259 = tpu.memref_slice %arg4[%dma_wait3A_257, %mul3A_2, %dma_wait3A_258] : memref<50x4096x128xf32, #tpu.memory_space<hbm>> -> memref<1x128x128xf32, #tpu.memory_space<hbm>>
    %dma_wait3A_260 = arith.constant 0 : i32
    %dma_wait3A_261 = arith.constant 0 : i32
    %dma_wait3A_262 = arith.constant 0 : i32
    %dma_wait3A_263 = tpu.memref_slice %arg6[%dma_wait3A_245, %dma_wait3A_260, %dma_wait3A_261, %dma_wait3A_262] : memref<7x1x128x128xf32, #tpu.memory_space<vmem>> -> memref<1x1x128x128xf32, #tpu.memory_space<vmem>>
    %dma_wait3A_264 = tpu.memref_squeeze %dma_wait3A_263 : memref<1x1x128x128xf32, #tpu.memory_space<vmem>> -> memref<1x128x128xf32, #tpu.memory_space<vmem>>
    tpu.wait_dma2 semaphore(%dma_wait3A_256 : memref<!tpu.dma_semaphore, #tpu.memory_space<semaphore_mem>>) src(%dma_wait3A_264 : memref<1x128x128xf32, #tpu.memory_space<vmem>>) dst(%dma_wait3A_259 : memref<1x128x128xf32, #tpu.memory_space<hbm>>)
    %dma_start3A_265 = arith.constant 49 : i32
    %dma_start3A_266 = arith.constant 0 : i32
    %dma_start3A_267 = arith.constant 0 : i32
    %dma_start3A_268 = arith.constant 0 : i32
    %dma_start3A_269 = arith.constant 0 : i32
    %dma_start3A_270 = arith.constant 0 : i32
    %dma_start3A_271 = tpu.memref_slice %arg6[%dma_start3A_266, %dma_start3A_267, %dma_start3A_269, %dma_start3A_270] : memref<7x1x128x128xf32, #tpu.memory_space<vmem>> -> memref<1x1x128x128xf32, #tpu.memory_space<vmem>>
    %dma_start3A_272 = tpu.memref_squeeze %dma_start3A_271 : memref<1x1x128x128xf32, #tpu.memory_space<vmem>> -> memref<128x128xf32, #tpu.memory_space<vmem>>
    %dma_start3A_273 = arith.constant 0 : i32
    %dma_start3A_274 = tpu.memref_slice %arg5[%dma_start3A_265, %dma_start3A_273] : memref<50x128xi32, #tpu.memory_space<vmem>> -> memref<1x128xi32, #tpu.memory_space<vmem>>
    %dma_start3A_275 = tpu.memref_squeeze %dma_start3A_274 : memref<1x128xi32, #tpu.memory_space<vmem>> -> memref<128xi32, #tpu.memory_space<vmem>>
    %dma_start3A_276 = arith.constant 0 : i32
    %dma_start3A_277 = arith.constant 0 : i32
    %dma_start3A_278 = tpu.memref_slice %arg3[%dma_start3A_276, %dma_start3A_277] : memref<100000x128xf32, #tpu.memory_space<hbm>> -> memref<100000x128xf32, #tpu.memory_space<hbm>>
    %dma_start3A_279 = tpu.memref_slice %arg7[%dma_start3A_268] : memref<7x!tpu.dma_semaphore, #tpu.memory_space<semaphore_mem>> -> memref<1x!tpu.dma_semaphore, #tpu.memory_space<semaphore_mem>>
    %dma_start3A_280 = tpu.memref_squeeze %dma_start3A_279 : memref<1x!tpu.dma_semaphore, #tpu.memory_space<semaphore_mem>> -> memref<!tpu.dma_semaphore, #tpu.memory_space<semaphore_mem>>
    tpu.enqueue_indirect_dma source(%dma_start3A_278 : memref<100000x128xf32, #tpu.memory_space<hbm>>) target(%dma_start3A_272 : memref<128x128xf32, #tpu.memory_space<vmem>>) offsets(%dma_start3A_275 : memref<128xi32, #tpu.memory_space<vmem>>) semaphore(%dma_start3A_280 : memref<!tpu.dma_semaphore, #tpu.memory_space<semaphore_mem>>)
    %dma_wait3A_281 = arith.constant 45 : i32
    %dma_wait3A_282 = arith.constant 3 : i32
    %dma_wait3A_283 = arith.constant 0 : i32
    %dma_wait3A_284 = arith.constant 3 : i32
    %dma_wait3A_285 = arith.constant 0 : i32
    %dma_wait3A_286 = arith.constant 0 : i32
    %dma_wait3A_287 = tpu.memref_slice %arg6[%dma_wait3A_282, %dma_wait3A_283, %dma_wait3A_285, %dma_wait3A_286] : memref<7x1x128x128xf32, #tpu.memory_space<vmem>> -> memref<1x1x128x128xf32, #tpu.memory_space<vmem>>
    %dma_wait3A_288 = tpu.memref_squeeze %dma_wait3A_287 : memref<1x1x128x128xf32, #tpu.memory_space<vmem>> -> memref<128x128xf32, #tpu.memory_space<vmem>>
    %dma_wait3A_289 = arith.constant 0 : i32
    %dma_wait3A_290 = tpu.memref_slice %arg5[%dma_wait3A_281, %dma_wait3A_289] : memref<50x128xi32, #tpu.memory_space<vmem>> -> memref<1x128xi32, #tpu.memory_space<vmem>>
    %dma_wait3A_291 = tpu.memref_squeeze %dma_wait3A_290 : memref<1x128xi32, #tpu.memory_space<vmem>> -> memref<128xi32, #tpu.memory_space<vmem>>
    %dma_wait3A_292 = arith.constant 0 : i32
    %dma_wait3A_293 = arith.constant 0 : i32
    %dma_wait3A_294 = tpu.memref_slice %arg3[%dma_wait3A_292, %dma_wait3A_293] : memref<100000x128xf32, #tpu.memory_space<hbm>> -> memref<100000x128xf32, #tpu.memory_space<hbm>>
    %dma_wait3A_295 = tpu.memref_slice %arg7[%dma_wait3A_284] : memref<7x!tpu.dma_semaphore, #tpu.memory_space<semaphore_mem>> -> memref<1x!tpu.dma_semaphore, #tpu.memory_space<semaphore_mem>>
    %dma_wait3A_296 = tpu.memref_squeeze %dma_wait3A_295 : memref<1x!tpu.dma_semaphore, #tpu.memory_space<semaphore_mem>> -> memref<!tpu.dma_semaphore, #tpu.memory_space<semaphore_mem>>
    tpu.wait_indirect_dma semaphore(%dma_wait3A_296 : memref<!tpu.dma_semaphore, #tpu.memory_space<semaphore_mem>>) src(%dma_wait3A_294 : memref<100000x128xf32, #tpu.memory_space<hbm>>) dst(%dma_wait3A_288 : memref<128x128xf32, #tpu.memory_space<vmem>>)
    %dma_start3A_297 = arith.constant 3 : i32
    %dma_start3A_298 = arith.constant 3 : i32
    %dma_start3A_299 = arith.constant 0 : i32
    %dma_start3A_300 = arith.constant 0 : i32
    %dma_start3A_301 = arith.constant 0 : i32
    %dma_start3A_302 = tpu.memref_slice %arg6[%dma_start3A_297, %dma_start3A_299, %dma_start3A_300, %dma_start3A_301] : memref<7x1x128x128xf32, #tpu.memory_space<vmem>> -> memref<1x1x128x128xf32, #tpu.memory_space<vmem>>
    %dma_start3A_303 = tpu.memref_squeeze %dma_start3A_302 : memref<1x1x128x128xf32, #tpu.memory_space<vmem>> -> memref<1x128x128xf32, #tpu.memory_space<vmem>>
    %dma_start3A_304 = arith.constant 45 : i32
    %dma_start3A_305 = arith.constant 0 : i32
    %dma_start3A_306 = tpu.memref_slice %arg4[%dma_start3A_304, %mul3A_2, %dma_start3A_305] : memref<50x4096x128xf32, #tpu.memory_space<hbm>> -> memref<1x128x128xf32, #tpu.memory_space<hbm>>
    %dma_start3A_307 = tpu.memref_slice %arg8[%dma_start3A_298] : memref<7x!tpu.dma_semaphore, #tpu.memory_space<semaphore_mem>> -> memref<1x!tpu.dma_semaphore, #tpu.memory_space<semaphore_mem>>
    %dma_start3A_308 = tpu.memref_squeeze %dma_start3A_307 : memref<1x!tpu.dma_semaphore, #tpu.memory_space<semaphore_mem>> -> memref<!tpu.dma_semaphore, #tpu.memory_space<semaphore_mem>>
    %dma_start3A_309 = arith.constant 45 : i32
    %dma_start3A_310 = arith.constant 0 : i32
    %dma_start3A_311 = tpu.memref_slice %arg4[%dma_start3A_309, %mul3A_2, %dma_start3A_310] : memref<50x4096x128xf32, #tpu.memory_space<hbm>> -> memref<1x128x128xf32, #tpu.memory_space<hbm>>
    %dma_start3A_312 = arith.constant 0 : i32
    %dma_start3A_313 = arith.constant 0 : i32
    %dma_start3A_314 = arith.constant 0 : i32
    %dma_start3A_315 = tpu.memref_slice %arg6[%dma_start3A_297, %dma_start3A_312, %dma_start3A_313, %dma_start3A_314] : memref<7x1x128x128xf32, #tpu.memory_space<vmem>> -> memref<1x1x128x128xf32, #tpu.memory_space<vmem>>
    %dma_start3A_316 = tpu.memref_squeeze %dma_start3A_315 : memref<1x1x128x128xf32, #tpu.memory_space<vmem>> -> memref<1x128x128xf32, #tpu.memory_space<vmem>>
    tpu.enqueue_dma source(%dma_start3A_316 : memref<1x128x128xf32, #tpu.memory_space<vmem>>) target(%dma_start3A_311 : memref<1x128x128xf32, #tpu.memory_space<hbm>>) target_semaphore(%dma_start3A_308 : memref<!tpu.dma_semaphore, #tpu.memory_space<semaphore_mem>>)
    %dma_wait3A_317 = arith.constant 46 : i32
    %dma_wait3A_318 = arith.constant 4 : i32
    %dma_wait3A_319 = arith.constant 0 : i32
    %dma_wait3A_320 = arith.constant 4 : i32
    %dma_wait3A_321 = arith.constant 0 : i32
    %dma_wait3A_322 = arith.constant 0 : i32
    %dma_wait3A_323 = tpu.memref_slice %arg6[%dma_wait3A_318, %dma_wait3A_319, %dma_wait3A_321, %dma_wait3A_322] : memref<7x1x128x128xf32, #tpu.memory_space<vmem>> -> memref<1x1x128x128xf32, #tpu.memory_space<vmem>>
    %dma_wait3A_324 = tpu.memref_squeeze %dma_wait3A_323 : memref<1x1x128x128xf32, #tpu.memory_space<vmem>> -> memref<128x128xf32, #tpu.memory_space<vmem>>
    %dma_wait3A_325 = arith.constant 0 : i32
    %dma_wait3A_326 = tpu.memref_slice %arg5[%dma_wait3A_317, %dma_wait3A_325] : memref<50x128xi32, #tpu.memory_space<vmem>> -> memref<1x128xi32, #tpu.memory_space<vmem>>
    %dma_wait3A_327 = tpu.memref_squeeze %dma_wait3A_326 : memref<1x128xi32, #tpu.memory_space<vmem>> -> memref<128xi32, #tpu.memory_space<vmem>>
    %dma_wait3A_328 = arith.constant 0 : i32
    %dma_wait3A_329 = arith.constant 0 : i32
    %dma_wait3A_330 = tpu.memref_slice %arg3[%dma_wait3A_328, %dma_wait3A_329] : memref<100000x128xf32, #tpu.memory_space<hbm>> -> memref<100000x128xf32, #tpu.memory_space<hbm>>
    %dma_wait3A_331 = tpu.memref_slice %arg7[%dma_wait3A_320] : memref<7x!tpu.dma_semaphore, #tpu.memory_space<semaphore_mem>> -> memref<1x!tpu.dma_semaphore, #tpu.memory_space<semaphore_mem>>
    %dma_wait3A_332 = tpu.memref_squeeze %dma_wait3A_331 : memref<1x!tpu.dma_semaphore, #tpu.memory_space<semaphore_mem>> -> memref<!tpu.dma_semaphore, #tpu.memory_space<semaphore_mem>>
    tpu.wait_indirect_dma semaphore(%dma_wait3A_332 : memref<!tpu.dma_semaphore, #tpu.memory_space<semaphore_mem>>) src(%dma_wait3A_330 : memref<100000x128xf32, #tpu.memory_space<hbm>>) dst(%dma_wait3A_324 : memref<128x128xf32, #tpu.memory_space<vmem>>)
    %dma_start3A_333 = arith.constant 4 : i32
    %dma_start3A_334 = arith.constant 4 : i32
    %dma_start3A_335 = arith.constant 0 : i32
    %dma_start3A_336 = arith.constant 0 : i32
    %dma_start3A_337 = arith.constant 0 : i32
    %dma_start3A_338 = tpu.memref_slice %arg6[%dma_start3A_333, %dma_start3A_335, %dma_start3A_336, %dma_start3A_337] : memref<7x1x128x128xf32, #tpu.memory_space<vmem>> -> memref<1x1x128x128xf32, #tpu.memory_space<vmem>>
    %dma_start3A_339 = tpu.memref_squeeze %dma_start3A_338 : memref<1x1x128x128xf32, #tpu.memory_space<vmem>> -> memref<1x128x128xf32, #tpu.memory_space<vmem>>
    %dma_start3A_340 = arith.constant 46 : i32
    %dma_start3A_341 = arith.constant 0 : i32
    %dma_start3A_342 = tpu.memref_slice %arg4[%dma_start3A_340, %mul3A_2, %dma_start3A_341] : memref<50x4096x128xf32, #tpu.memory_space<hbm>> -> memref<1x128x128xf32, #tpu.memory_space<hbm>>
    %dma_start3A_343 = tpu.memref_slice %arg8[%dma_start3A_334] : memref<7x!tpu.dma_semaphore, #tpu.memory_space<semaphore_mem>> -> memref<1x!tpu.dma_semaphore, #tpu.memory_space<semaphore_mem>>
    %dma_start3A_344 = tpu.memref_squeeze %dma_start3A_343 : memref<1x!tpu.dma_semaphore, #tpu.memory_space<semaphore_mem>> -> memref<!tpu.dma_semaphore, #tpu.memory_space<semaphore_mem>>
    %dma_start3A_345 = arith.constant 46 : i32
    %dma_start3A_346 = arith.constant 0 : i32
    %dma_start3A_347 = tpu.memref_slice %arg4[%dma_start3A_345, %mul3A_2, %dma_start3A_346] : memref<50x4096x128xf32, #tpu.memory_space<hbm>> -> memref<1x128x128xf32, #tpu.memory_space<hbm>>
    %dma_start3A_348 = arith.constant 0 : i32
    %dma_start3A_349 = arith.constant 0 : i32
    %dma_start3A_350 = arith.constant 0 : i32
    %dma_start3A_351 = tpu.memref_slice %arg6[%dma_start3A_333, %dma_start3A_348, %dma_start3A_349, %dma_start3A_350] : memref<7x1x128x128xf32, #tpu.memory_space<vmem>> -> memref<1x1x128x128xf32, #tpu.memory_space<vmem>>
    %dma_start3A_352 = tpu.memref_squeeze %dma_start3A_351 : memref<1x1x128x128xf32, #tpu.memory_space<vmem>> -> memref<1x128x128xf32, #tpu.memory_space<vmem>>
    tpu.enqueue_dma source(%dma_start3A_352 : memref<1x128x128xf32, #tpu.memory_space<vmem>>) target(%dma_start3A_347 : memref<1x128x128xf32, #tpu.memory_space<hbm>>) target_semaphore(%dma_start3A_344 : memref<!tpu.dma_semaphore, #tpu.memory_space<semaphore_mem>>)
    %dma_wait3A_353 = arith.constant 47 : i32
    %dma_wait3A_354 = arith.constant 5 : i32
    %dma_wait3A_355 = arith.constant 0 : i32
    %dma_wait3A_356 = arith.constant 5 : i32
    %dma_wait3A_357 = arith.constant 0 : i32
    %dma_wait3A_358 = arith.constant 0 : i32
    %dma_wait3A_359 = tpu.memref_slice %arg6[%dma_wait3A_354, %dma_wait3A_355, %dma_wait3A_357, %dma_wait3A_358] : memref<7x1x128x128xf32, #tpu.memory_space<vmem>> -> memref<1x1x128x128xf32, #tpu.memory_space<vmem>>
    %dma_wait3A_360 = tpu.memref_squeeze %dma_wait3A_359 : memref<1x1x128x128xf32, #tpu.memory_space<vmem>> -> memref<128x128xf32, #tpu.memory_space<vmem>>
    %dma_wait3A_361 = arith.constant 0 : i32
    %dma_wait3A_362 = tpu.memref_slice %arg5[%dma_wait3A_353, %dma_wait3A_361] : memref<50x128xi32, #tpu.memory_space<vmem>> -> memref<1x128xi32, #tpu.memory_space<vmem>>
    %dma_wait3A_363 = tpu.memref_squeeze %dma_wait3A_362 : memref<1x128xi32, #tpu.memory_space<vmem>> -> memref<128xi32, #tpu.memory_space<vmem>>
    %dma_wait3A_364 = arith.constant 0 : i32
    %dma_wait3A_365 = arith.constant 0 : i32
    %dma_wait3A_366 = tpu.memref_slice %arg3[%dma_wait3A_364, %dma_wait3A_365] : memref<100000x128xf32, #tpu.memory_space<hbm>> -> memref<100000x128xf32, #tpu.memory_space<hbm>>
    %dma_wait3A_367 = tpu.memref_slice %arg7[%dma_wait3A_356] : memref<7x!tpu.dma_semaphore, #tpu.memory_space<semaphore_mem>> -> memref<1x!tpu.dma_semaphore, #tpu.memory_space<semaphore_mem>>
    %dma_wait3A_368 = tpu.memref_squeeze %dma_wait3A_367 : memref<1x!tpu.dma_semaphore, #tpu.memory_space<semaphore_mem>> -> memref<!tpu.dma_semaphore, #tpu.memory_space<semaphore_mem>>
    tpu.wait_indirect_dma semaphore(%dma_wait3A_368 : memref<!tpu.dma_semaphore, #tpu.memory_space<semaphore_mem>>) src(%dma_wait3A_366 : memref<100000x128xf32, #tpu.memory_space<hbm>>) dst(%dma_wait3A_360 : memref<128x128xf32, #tpu.memory_space<vmem>>)
    %dma_start3A_369 = arith.constant 5 : i32
    %dma_start3A_370 = arith.constant 5 : i32
    %dma_start3A_371 = arith.constant 0 : i32
    %dma_start3A_372 = arith.constant 0 : i32
    %dma_start3A_373 = arith.constant 0 : i32
    %dma_start3A_374 = tpu.memref_slice %arg6[%dma_start3A_369, %dma_start3A_371, %dma_start3A_372, %dma_start3A_373] : memref<7x1x128x128xf32, #tpu.memory_space<vmem>> -> memref<1x1x128x128xf32, #tpu.memory_space<vmem>>
    %dma_start3A_375 = tpu.memref_squeeze %dma_start3A_374 : memref<1x1x128x128xf32, #tpu.memory_space<vmem>> -> memref<1x128x128xf32, #tpu.memory_space<vmem>>
    %dma_start3A_376 = arith.constant 47 : i32
    %dma_start3A_377 = arith.constant 0 : i32
    %dma_start3A_378 = tpu.memref_slice %arg4[%dma_start3A_376, %mul3A_2, %dma_start3A_377] : memref<50x4096x128xf32, #tpu.memory_space<hbm>> -> memref<1x128x128xf32, #tpu.memory_space<hbm>>
    %dma_start3A_379 = tpu.memref_slice %arg8[%dma_start3A_370] : memref<7x!tpu.dma_semaphore, #tpu.memory_space<semaphore_mem>> -> memref<1x!tpu.dma_semaphore, #tpu.memory_space<semaphore_mem>>
    %dma_start3A_380 = tpu.memref_squeeze %dma_start3A_379 : memref<1x!tpu.dma_semaphore, #tpu.memory_space<semaphore_mem>> -> memref<!tpu.dma_semaphore, #tpu.memory_space<semaphore_mem>>
    %dma_start3A_381 = arith.constant 47 : i32
    %dma_start3A_382 = arith.constant 0 : i32
    %dma_start3A_383 = tpu.memref_slice %arg4[%dma_start3A_381, %mul3A_2, %dma_start3A_382] : memref<50x4096x128xf32, #tpu.memory_space<hbm>> -> memref<1x128x128xf32, #tpu.memory_space<hbm>>
    %dma_start3A_384 = arith.constant 0 : i32
    %dma_start3A_385 = arith.constant 0 : i32
    %dma_start3A_386 = arith.constant 0 : i32
    %dma_start3A_387 = tpu.memref_slice %arg6[%dma_start3A_369, %dma_start3A_384, %dma_start3A_385, %dma_start3A_386] : memref<7x1x128x128xf32, #tpu.memory_space<vmem>> -> memref<1x1x128x128xf32, #tpu.memory_space<vmem>>
    %dma_start3A_388 = tpu.memref_squeeze %dma_start3A_387 : memref<1x1x128x128xf32, #tpu.memory_space<vmem>> -> memref<1x128x128xf32, #tpu.memory_space<vmem>>
    tpu.enqueue_dma source(%dma_start3A_388 : memref<1x128x128xf32, #tpu.memory_space<vmem>>) target(%dma_start3A_383 : memref<1x128x128xf32, #tpu.memory_space<hbm>>) target_semaphore(%dma_start3A_380 : memref<!tpu.dma_semaphore, #tpu.memory_space<semaphore_mem>>)
    %dma_wait3A_389 = arith.constant 48 : i32
    %dma_wait3A_390 = arith.constant 6 : i32
    %dma_wait3A_391 = arith.constant 0 : i32
    %dma_wait3A_392 = arith.constant 6 : i32
    %dma_wait3A_393 = arith.constant 0 : i32
    %dma_wait3A_394 = arith.constant 0 : i32
    %dma_wait3A_395 = tpu.memref_slice %arg6[%dma_wait3A_390, %dma_wait3A_391, %dma_wait3A_393, %dma_wait3A_394] : memref<7x1x128x128xf32, #tpu.memory_space<vmem>> -> memref<1x1x128x128xf32, #tpu.memory_space<vmem>>
    %dma_wait3A_396 = tpu.memref_squeeze %dma_wait3A_395 : memref<1x1x128x128xf32, #tpu.memory_space<vmem>> -> memref<128x128xf32, #tpu.memory_space<vmem>>
    %dma_wait3A_397 = arith.constant 0 : i32
    %dma_wait3A_398 = tpu.memref_slice %arg5[%dma_wait3A_389, %dma_wait3A_397] : memref<50x128xi32, #tpu.memory_space<vmem>> -> memref<1x128xi32, #tpu.memory_space<vmem>>
    %dma_wait3A_399 = tpu.memref_squeeze %dma_wait3A_398 : memref<1x128xi32, #tpu.memory_space<vmem>> -> memref<128xi32, #tpu.memory_space<vmem>>
    %dma_wait3A_400 = arith.constant 0 : i32
    %dma_wait3A_401 = arith.constant 0 : i32
    %dma_wait3A_402 = tpu.memref_slice %arg3[%dma_wait3A_400, %dma_wait3A_401] : memref<100000x128xf32, #tpu.memory_space<hbm>> -> memref<100000x128xf32, #tpu.memory_space<hbm>>
    %dma_wait3A_403 = tpu.memref_slice %arg7[%dma_wait3A_392] : memref<7x!tpu.dma_semaphore, #tpu.memory_space<semaphore_mem>> -> memref<1x!tpu.dma_semaphore, #tpu.memory_space<semaphore_mem>>
    %dma_wait3A_404 = tpu.memref_squeeze %dma_wait3A_403 : memref<1x!tpu.dma_semaphore, #tpu.memory_space<semaphore_mem>> -> memref<!tpu.dma_semaphore, #tpu.memory_space<semaphore_mem>>
    tpu.wait_indirect_dma semaphore(%dma_wait3A_404 : memref<!tpu.dma_semaphore, #tpu.memory_space<semaphore_mem>>) src(%dma_wait3A_402 : memref<100000x128xf32, #tpu.memory_space<hbm>>) dst(%dma_wait3A_396 : memref<128x128xf32, #tpu.memory_space<vmem>>)
    %dma_start3A_405 = arith.constant 6 : i32
    %dma_start3A_406 = arith.constant 6 : i32
    %dma_start3A_407 = arith.constant 0 : i32
    %dma_start3A_408 = arith.constant 0 : i32
    %dma_start3A_409 = arith.constant 0 : i32
    %dma_start3A_410 = tpu.memref_slice %arg6[%dma_start3A_405, %dma_start3A_407, %dma_start3A_408, %dma_start3A_409] : memref<7x1x128x128xf32, #tpu.memory_space<vmem>> -> memref<1x1x128x128xf32, #tpu.memory_space<vmem>>
    %dma_start3A_411 = tpu.memref_squeeze %dma_start3A_410 : memref<1x1x128x128xf32, #tpu.memory_space<vmem>> -> memref<1x128x128xf32, #tpu.memory_space<vmem>>
    %dma_start3A_412 = arith.constant 48 : i32
    %dma_start3A_413 = arith.constant 0 : i32
    %dma_start3A_414 = tpu.memref_slice %arg4[%dma_start3A_412, %mul3A_2, %dma_start3A_413] : memref<50x4096x128xf32, #tpu.memory_space<hbm>> -> memref<1x128x128xf32, #tpu.memory_space<hbm>>
    %dma_start3A_415 = tpu.memref_slice %arg8[%dma_start3A_406] : memref<7x!tpu.dma_semaphore, #tpu.memory_space<semaphore_mem>> -> memref<1x!tpu.dma_semaphore, #tpu.memory_space<semaphore_mem>>
    %dma_start3A_416 = tpu.memref_squeeze %dma_start3A_415 : memref<1x!tpu.dma_semaphore, #tpu.memory_space<semaphore_mem>> -> memref<!tpu.dma_semaphore, #tpu.memory_space<semaphore_mem>>
    %dma_start3A_417 = arith.constant 48 : i32
    %dma_start3A_418 = arith.constant 0 : i32
    %dma_start3A_419 = tpu.memref_slice %arg4[%dma_start3A_417, %mul3A_2, %dma_start3A_418] : memref<50x4096x128xf32, #tpu.memory_space<hbm>> -> memref<1x128x128xf32, #tpu.memory_space<hbm>>
    %dma_start3A_420 = arith.constant 0 : i32
    %dma_start3A_421 = arith.constant 0 : i32
    %dma_start3A_422 = arith.constant 0 : i32
    %dma_start3A_423 = tpu.memref_slice %arg6[%dma_start3A_405, %dma_start3A_420, %dma_start3A_421, %dma_start3A_422] : memref<7x1x128x128xf32, #tpu.memory_space<vmem>> -> memref<1x1x128x128xf32, #tpu.memory_space<vmem>>
    %dma_start3A_424 = tpu.memref_squeeze %dma_start3A_423 : memref<1x1x128x128xf32, #tpu.memory_space<vmem>> -> memref<1x128x128xf32, #tpu.memory_space<vmem>>
    tpu.enqueue_dma source(%dma_start3A_424 : memref<1x128x128xf32, #tpu.memory_space<vmem>>) target(%dma_start3A_419 : memref<1x128x128xf32, #tpu.memory_space<hbm>>) target_semaphore(%dma_start3A_416 : memref<!tpu.dma_semaphore, #tpu.memory_space<semaphore_mem>>)
    %dma_wait3A_425 = arith.constant 49 : i32
    %dma_wait3A_426 = arith.constant 0 : i32
    %dma_wait3A_427 = arith.constant 0 : i32
    %dma_wait3A_428 = arith.constant 0 : i32
    %dma_wait3A_429 = arith.constant 0 : i32
    %dma_wait3A_430 = arith.constant 0 : i32
    %dma_wait3A_431 = tpu.memref_slice %arg6[%dma_wait3A_426, %dma_wait3A_427, %dma_wait3A_429, %dma_wait3A_430] : memref<7x1x128x128xf32, #tpu.memory_space<vmem>> -> memref<1x1x128x128xf32, #tpu.memory_space<vmem>>
    %dma_wait3A_432 = tpu.memref_squeeze %dma_wait3A_431 : memref<1x1x128x128xf32, #tpu.memory_space<vmem>> -> memref<128x128xf32, #tpu.memory_space<vmem>>
    %dma_wait3A_433 = arith.constant 0 : i32
    %dma_wait3A_434 = tpu.memref_slice %arg5[%dma_wait3A_425, %dma_wait3A_433] : memref<50x128xi32, #tpu.memory_space<vmem>> -> memref<1x128xi32, #tpu.memory_space<vmem>>
    %dma_wait3A_435 = tpu.memref_squeeze %dma_wait3A_434 : memref<1x128xi32, #tpu.memory_space<vmem>> -> memref<128xi32, #tpu.memory_space<vmem>>
    %dma_wait3A_436 = arith.constant 0 : i32
    %dma_wait3A_437 = arith.constant 0 : i32
    %dma_wait3A_438 = tpu.memref_slice %arg3[%dma_wait3A_436, %dma_wait3A_437] : memref<100000x128xf32, #tpu.memory_space<hbm>> -> memref<100000x128xf32, #tpu.memory_space<hbm>>
    %dma_wait3A_439 = tpu.memref_slice %arg7[%dma_wait3A_428] : memref<7x!tpu.dma_semaphore, #tpu.memory_space<semaphore_mem>> -> memref<1x!tpu.dma_semaphore, #tpu.memory_space<semaphore_mem>>
    %dma_wait3A_440 = tpu.memref_squeeze %dma_wait3A_439 : memref<1x!tpu.dma_semaphore, #tpu.memory_space<semaphore_mem>> -> memref<!tpu.dma_semaphore, #tpu.memory_space<semaphore_mem>>
    tpu.wait_indirect_dma semaphore(%dma_wait3A_440 : memref<!tpu.dma_semaphore, #tpu.memory_space<semaphore_mem>>) src(%dma_wait3A_438 : memref<100000x128xf32, #tpu.memory_space<hbm>>) dst(%dma_wait3A_432 : memref<128x128xf32, #tpu.memory_space<vmem>>)
    %dma_start3A_441 = arith.constant 0 : i32
    %dma_start3A_442 = arith.constant 0 : i32
    %dma_start3A_443 = arith.constant 0 : i32
    %dma_start3A_444 = arith.constant 0 : i32
    %dma_start3A_445 = arith.constant 0 : i32
    %dma_start3A_446 = tpu.memref_slice %arg6[%dma_start3A_441, %dma_start3A_443, %dma_start3A_444, %dma_start3A_445] : memref<7x1x128x128xf32, #tpu.memory_space<vmem>> -> memref<1x1x128x128xf32, #tpu.memory_space<vmem>>
    %dma_start3A_447 = tpu.memref_squeeze %dma_start3A_446 : memref<1x1x128x128xf32, #tpu.memory_space<vmem>> -> memref<1x128x128xf32, #tpu.memory_space<vmem>>
    %dma_start3A_448 = arith.constant 49 : i32
    %dma_start3A_449 = arith.constant 0 : i32
    %dma_start3A_450 = tpu.memref_slice %arg4[%dma_start3A_448, %mul3A_2, %dma_start3A_449] : memref<50x4096x128xf32, #tpu.memory_space<hbm>> -> memref<1x128x128xf32, #tpu.memory_space<hbm>>
    %dma_start3A_451 = tpu.memref_slice %arg8[%dma_start3A_442] : memref<7x!tpu.dma_semaphore, #tpu.memory_space<semaphore_mem>> -> memref<1x!tpu.dma_semaphore, #tpu.memory_space<semaphore_mem>>
    %dma_start3A_452 = tpu.memref_squeeze %dma_start3A_451 : memref<1x!tpu.dma_semaphore, #tpu.memory_space<semaphore_mem>> -> memref<!tpu.dma_semaphore, #tpu.memory_space<semaphore_mem>>
    %dma_start3A_453 = arith.constant 49 : i32
    %dma_start3A_454 = arith.constant 0 : i32
    %dma_start3A_455 = tpu.memref_slice %arg4[%dma_start3A_453, %mul3A_2, %dma_start3A_454] : memref<50x4096x128xf32, #tpu.memory_space<hbm>> -> memref<1x128x128xf32, #tpu.memory_space<hbm>>
    %dma_start3A_456 = arith.constant 0 : i32
    %dma_start3A_457 = arith.constant 0 : i32
    %dma_start3A_458 = arith.constant 0 : i32
    %dma_start3A_459 = tpu.memref_slice %arg6[%dma_start3A_441, %dma_start3A_456, %dma_start3A_457, %dma_start3A_458] : memref<7x1x128x128xf32, #tpu.memory_space<vmem>> -> memref<1x1x128x128xf32, #tpu.memory_space<vmem>>
    %dma_start3A_460 = tpu.memref_squeeze %dma_start3A_459 : memref<1x1x128x128xf32, #tpu.memory_space<vmem>> -> memref<1x128x128xf32, #tpu.memory_space<vmem>>
    tpu.enqueue_dma source(%dma_start3A_460 : memref<1x128x128xf32, #tpu.memory_space<vmem>>) target(%dma_start3A_455 : memref<1x128x128xf32, #tpu.memory_space<hbm>>) target_semaphore(%dma_start3A_452 : memref<!tpu.dma_semaphore, #tpu.memory_space<semaphore_mem>>)
    %dma_wait3A_461 = arith.constant 1 : i32
    %dma_wait3A_462 = arith.constant 1 : i32
    %dma_wait3A_463 = arith.constant 0 : i32
    %dma_wait3A_464 = arith.constant 0 : i32
    %dma_wait3A_465 = arith.constant 0 : i32
    %dma_wait3A_466 = tpu.memref_slice %arg6[%dma_wait3A_461, %dma_wait3A_463, %dma_wait3A_464, %dma_wait3A_465] : memref<7x1x128x128xf32, #tpu.memory_space<vmem>> -> memref<1x1x128x128xf32, #tpu.memory_space<vmem>>
    %dma_wait3A_467 = tpu.memref_squeeze %dma_wait3A_466 : memref<1x1x128x128xf32, #tpu.memory_space<vmem>> -> memref<1x128x128xf32, #tpu.memory_space<vmem>>
    %dma_wait3A_468 = arith.constant 43 : i32
    %dma_wait3A_469 = arith.constant 0 : i32
    %dma_wait3A_470 = tpu.memref_slice %arg4[%dma_wait3A_468, %mul3A_2, %dma_wait3A_469] : memref<50x4096x128xf32, #tpu.memory_space<hbm>> -> memref<1x128x128xf32, #tpu.memory_space<hbm>>
    %dma_wait3A_471 = tpu.memref_slice %arg8[%dma_wait3A_462] : memref<7x!tpu.dma_semaphore, #tpu.memory_space<semaphore_mem>> -> memref<1x!tpu.dma_semaphore, #tpu.memory_space<semaphore_mem>>
    %dma_wait3A_472 = tpu.memref_squeeze %dma_wait3A_471 : memref<1x!tpu.dma_semaphore, #tpu.memory_space<semaphore_mem>> -> memref<!tpu.dma_semaphore, #tpu.memory_space<semaphore_mem>>
    %dma_wait3A_473 = arith.constant 43 : i32
    %dma_wait3A_474 = arith.constant 0 : i32
    %dma_wait3A_475 = tpu.memref_slice %arg4[%dma_wait3A_473, %mul3A_2, %dma_wait3A_474] : memref<50x4096x128xf32, #tpu.memory_space<hbm>> -> memref<1x128x128xf32, #tpu.memory_space<hbm>>
    %dma_wait3A_476 = arith.constant 0 : i32
    %dma_wait3A_477 = arith.constant 0 : i32
    %dma_wait3A_478 = arith.constant 0 : i32
    %dma_wait3A_479 = tpu.memref_slice %arg6[%dma_wait3A_461, %dma_wait3A_476, %dma_wait3A_477, %dma_wait3A_478] : memref<7x1x128x128xf32, #tpu.memory_space<vmem>> -> memref<1x1x128x128xf32, #tpu.memory_space<vmem>>
    %dma_wait3A_480 = tpu.memref_squeeze %dma_wait3A_479 : memref<1x1x128x128xf32, #tpu.memory_space<vmem>> -> memref<1x128x128xf32, #tpu.memory_space<vmem>>
    tpu.wait_dma2 semaphore(%dma_wait3A_472 : memref<!tpu.dma_semaphore, #tpu.memory_space<semaphore_mem>>) src(%dma_wait3A_480 : memref<1x128x128xf32, #tpu.memory_space<vmem>>) dst(%dma_wait3A_475 : memref<1x128x128xf32, #tpu.memory_space<hbm>>)
    %dma_wait3A_481 = arith.constant 2 : i32
    %dma_wait3A_482 = arith.constant 2 : i32
    %dma_wait3A_483 = arith.constant 0 : i32
    %dma_wait3A_484 = arith.constant 0 : i32
    %dma_wait3A_485 = arith.constant 0 : i32
    %dma_wait3A_486 = tpu.memref_slice %arg6[%dma_wait3A_481, %dma_wait3A_483, %dma_wait3A_484, %dma_wait3A_485] : memref<7x1x128x128xf32, #tpu.memory_space<vmem>> -> memref<1x1x128x128xf32, #tpu.memory_space<vmem>>
    %dma_wait3A_487 = tpu.memref_squeeze %dma_wait3A_486 : memref<1x1x128x128xf32, #tpu.memory_space<vmem>> -> memref<1x128x128xf32, #tpu.memory_space<vmem>>
    %dma_wait3A_488 = arith.constant 44 : i32
    %dma_wait3A_489 = arith.constant 0 : i32
    %dma_wait3A_490 = tpu.memref_slice %arg4[%dma_wait3A_488, %mul3A_2, %dma_wait3A_489] : memref<50x4096x128xf32, #tpu.memory_space<hbm>> -> memref<1x128x128xf32, #tpu.memory_space<hbm>>
    %dma_wait3A_491 = tpu.memref_slice %arg8[%dma_wait3A_482] : memref<7x!tpu.dma_semaphore, #tpu.memory_space<semaphore_mem>> -> memref<1x!tpu.dma_semaphore, #tpu.memory_space<semaphore_mem>>
    %dma_wait3A_492 = tpu.memref_squeeze %dma_wait3A_491 : memref<1x!tpu.dma_semaphore, #tpu.memory_space<semaphore_mem>> -> memref<!tpu.dma_semaphore, #tpu.memory_space<semaphore_mem>>
    %dma_wait3A_493 = arith.constant 44 : i32
    %dma_wait3A_494 = arith.constant 0 : i32
    %dma_wait3A_495 = tpu.memref_slice %arg4[%dma_wait3A_493, %mul3A_2, %dma_wait3A_494] : memref<50x4096x128xf32, #tpu.memory_space<hbm>> -> memref<1x128x128xf32, #tpu.memory_space<hbm>>
    %dma_wait3A_496 = arith.constant 0 : i32
    %dma_wait3A_497 = arith.constant 0 : i32
    %dma_wait3A_498 = arith.constant 0 : i32
    %dma_wait3A_499 = tpu.memref_slice %arg6[%dma_wait3A_481, %dma_wait3A_496, %dma_wait3A_497, %dma_wait3A_498] : memref<7x1x128x128xf32, #tpu.memory_space<vmem>> -> memref<1x1x128x128xf32, #tpu.memory_space<vmem>>
    %dma_wait3A_500 = tpu.memref_squeeze %dma_wait3A_499 : memref<1x1x128x128xf32, #tpu.memory_space<vmem>> -> memref<1x128x128xf32, #tpu.memory_space<vmem>>
    tpu.wait_dma2 semaphore(%dma_wait3A_492 : memref<!tpu.dma_semaphore, #tpu.memory_space<semaphore_mem>>) src(%dma_wait3A_500 : memref<1x128x128xf32, #tpu.memory_space<vmem>>) dst(%dma_wait3A_495 : memref<1x128x128xf32, #tpu.memory_space<hbm>>)
    %dma_wait3A_501 = arith.constant 3 : i32
    %dma_wait3A_502 = arith.constant 3 : i32
    %dma_wait3A_503 = arith.constant 0 : i32
    %dma_wait3A_504 = arith.constant 0 : i32
    %dma_wait3A_505 = arith.constant 0 : i32
    %dma_wait3A_506 = tpu.memref_slice %arg6[%dma_wait3A_501, %dma_wait3A_503, %dma_wait3A_504, %dma_wait3A_505] : memref<7x1x128x128xf32, #tpu.memory_space<vmem>> -> memref<1x1x128x128xf32, #tpu.memory_space<vmem>>
    %dma_wait3A_507 = tpu.memref_squeeze %dma_wait3A_506 : memref<1x1x128x128xf32, #tpu.memory_space<vmem>> -> memref<1x128x128xf32, #tpu.memory_space<vmem>>
    %dma_wait3A_508 = arith.constant 45 : i32
    %dma_wait3A_509 = arith.constant 0 : i32
    %dma_wait3A_510 = tpu.memref_slice %arg4[%dma_wait3A_508, %mul3A_2, %dma_wait3A_509] : memref<50x4096x128xf32, #tpu.memory_space<hbm>> -> memref<1x128x128xf32, #tpu.memory_space<hbm>>
    %dma_wait3A_511 = tpu.memref_slice %arg8[%dma_wait3A_502] : memref<7x!tpu.dma_semaphore, #tpu.memory_space<semaphore_mem>> -> memref<1x!tpu.dma_semaphore, #tpu.memory_space<semaphore_mem>>
    %dma_wait3A_512 = tpu.memref_squeeze %dma_wait3A_511 : memref<1x!tpu.dma_semaphore, #tpu.memory_space<semaphore_mem>> -> memref<!tpu.dma_semaphore, #tpu.memory_space<semaphore_mem>>
    %dma_wait3A_513 = arith.constant 45 : i32
    %dma_wait3A_514 = arith.constant 0 : i32
    %dma_wait3A_515 = tpu.memref_slice %arg4[%dma_wait3A_513, %mul3A_2, %dma_wait3A_514] : memref<50x4096x128xf32, #tpu.memory_space<hbm>> -> memref<1x128x128xf32, #tpu.memory_space<hbm>>
    %dma_wait3A_516 = arith.constant 0 : i32
    %dma_wait3A_517 = arith.constant 0 : i32
    %dma_wait3A_518 = arith.constant 0 : i32
    %dma_wait3A_519 = tpu.memref_slice %arg6[%dma_wait3A_501, %dma_wait3A_516, %dma_wait3A_517, %dma_wait3A_518] : memref<7x1x128x128xf32, #tpu.memory_space<vmem>> -> memref<1x1x128x128xf32, #tpu.memory_space<vmem>>
    %dma_wait3A_520 = tpu.memref_squeeze %dma_wait3A_519 : memref<1x1x128x128xf32, #tpu.memory_space<vmem>> -> memref<1x128x128xf32, #tpu.memory_space<vmem>>
    tpu.wait_dma2 semaphore(%dma_wait3A_512 : memref<!tpu.dma_semaphore, #tpu.memory_space<semaphore_mem>>) src(%dma_wait3A_520 : memref<1x128x128xf32, #tpu.memory_space<vmem>>) dst(%dma_wait3A_515 : memref<1x128x128xf32, #tpu.memory_space<hbm>>)
    %dma_wait3A_521 = arith.constant 4 : i32
    %dma_wait3A_522 = arith.constant 4 : i32
    %dma_wait3A_523 = arith.constant 0 : i32
    %dma_wait3A_524 = arith.constant 0 : i32
    %dma_wait3A_525 = arith.constant 0 : i32
    %dma_wait3A_526 = tpu.memref_slice %arg6[%dma_wait3A_521, %dma_wait3A_523, %dma_wait3A_524, %dma_wait3A_525] : memref<7x1x128x128xf32, #tpu.memory_space<vmem>> -> memref<1x1x128x128xf32, #tpu.memory_space<vmem>>
    %dma_wait3A_527 = tpu.memref_squeeze %dma_wait3A_526 : memref<1x1x128x128xf32, #tpu.memory_space<vmem>> -> memref<1x128x128xf32, #tpu.memory_space<vmem>>
    %dma_wait3A_528 = arith.constant 46 : i32
    %dma_wait3A_529 = arith.constant 0 : i32
    %dma_wait3A_530 = tpu.memref_slice %arg4[%dma_wait3A_528, %mul3A_2, %dma_wait3A_529] : memref<50x4096x128xf32, #tpu.memory_space<hbm>> -> memref<1x128x128xf32, #tpu.memory_space<hbm>>
    %dma_wait3A_531 = tpu.memref_slice %arg8[%dma_wait3A_522] : memref<7x!tpu.dma_semaphore, #tpu.memory_space<semaphore_mem>> -> memref<1x!tpu.dma_semaphore, #tpu.memory_space<semaphore_mem>>
    %dma_wait3A_532 = tpu.memref_squeeze %dma_wait3A_531 : memref<1x!tpu.dma_semaphore, #tpu.memory_space<semaphore_mem>> -> memref<!tpu.dma_semaphore, #tpu.memory_space<semaphore_mem>>
    %dma_wait3A_533 = arith.constant 46 : i32
    %dma_wait3A_534 = arith.constant 0 : i32
    %dma_wait3A_535 = tpu.memref_slice %arg4[%dma_wait3A_533, %mul3A_2, %dma_wait3A_534] : memref<50x4096x128xf32, #tpu.memory_space<hbm>> -> memref<1x128x128xf32, #tpu.memory_space<hbm>>
    %dma_wait3A_536 = arith.constant 0 : i32
    %dma_wait3A_537 = arith.constant 0 : i32
    %dma_wait3A_538 = arith.constant 0 : i32
    %dma_wait3A_539 = tpu.memref_slice %arg6[%dma_wait3A_521, %dma_wait3A_536, %dma_wait3A_537, %dma_wait3A_538] : memref<7x1x128x128xf32, #tpu.memory_space<vmem>> -> memref<1x1x128x128xf32, #tpu.memory_space<vmem>>
    %dma_wait3A_540 = tpu.memref_squeeze %dma_wait3A_539 : memref<1x1x128x128xf32, #tpu.memory_space<vmem>> -> memref<1x128x128xf32, #tpu.memory_space<vmem>>
    tpu.wait_dma2 semaphore(%dma_wait3A_532 : memref<!tpu.dma_semaphore, #tpu.memory_space<semaphore_mem>>) src(%dma_wait3A_540 : memref<1x128x128xf32, #tpu.memory_space<vmem>>) dst(%dma_wait3A_535 : memref<1x128x128xf32, #tpu.memory_space<hbm>>)
    %dma_wait3A_541 = arith.constant 5 : i32
    %dma_wait3A_542 = arith.constant 5 : i32
    %dma_wait3A_543 = arith.constant 0 : i32
    %dma_wait3A_544 = arith.constant 0 : i32
    %dma_wait3A_545 = arith.constant 0 : i32
    %dma_wait3A_546 = tpu.memref_slice %arg6[%dma_wait3A_541, %dma_wait3A_543, %dma_wait3A_544, %dma_wait3A_545] : memref<7x1x128x128xf32, #tpu.memory_space<vmem>> -> memref<1x1x128x128xf32, #tpu.memory_space<vmem>>
    %dma_wait3A_547 = tpu.memref_squeeze %dma_wait3A_546 : memref<1x1x128x128xf32, #tpu.memory_space<vmem>> -> memref<1x128x128xf32, #tpu.memory_space<vmem>>
    %dma_wait3A_548 = arith.constant 47 : i32
    %dma_wait3A_549 = arith.constant 0 : i32
    %dma_wait3A_550 = tpu.memref_slice %arg4[%dma_wait3A_548, %mul3A_2, %dma_wait3A_549] : memref<50x4096x128xf32, #tpu.memory_space<hbm>> -> memref<1x128x128xf32, #tpu.memory_space<hbm>>
    %dma_wait3A_551 = tpu.memref_slice %arg8[%dma_wait3A_542] : memref<7x!tpu.dma_semaphore, #tpu.memory_space<semaphore_mem>> -> memref<1x!tpu.dma_semaphore, #tpu.memory_space<semaphore_mem>>
    %dma_wait3A_552 = tpu.memref_squeeze %dma_wait3A_551 : memref<1x!tpu.dma_semaphore, #tpu.memory_space<semaphore_mem>> -> memref<!tpu.dma_semaphore, #tpu.memory_space<semaphore_mem>>
    %dma_wait3A_553 = arith.constant 47 : i32
    %dma_wait3A_554 = arith.constant 0 : i32
    %dma_wait3A_555 = tpu.memref_slice %arg4[%dma_wait3A_553, %mul3A_2, %dma_wait3A_554] : memref<50x4096x128xf32, #tpu.memory_space<hbm>> -> memref<1x128x128xf32, #tpu.memory_space<hbm>>
    %dma_wait3A_556 = arith.constant 0 : i32
    %dma_wait3A_557 = arith.constant 0 : i32
    %dma_wait3A_558 = arith.constant 0 : i32
    %dma_wait3A_559 = tpu.memref_slice %arg6[%dma_wait3A_541, %dma_wait3A_556, %dma_wait3A_557, %dma_wait3A_558] : memref<7x1x128x128xf32, #tpu.memory_space<vmem>> -> memref<1x1x128x128xf32, #tpu.memory_space<vmem>>
    %dma_wait3A_560 = tpu.memref_squeeze %dma_wait3A_559 : memref<1x1x128x128xf32, #tpu.memory_space<vmem>> -> memref<1x128x128xf32, #tpu.memory_space<vmem>>
    tpu.wait_dma2 semaphore(%dma_wait3A_552 : memref<!tpu.dma_semaphore, #tpu.memory_space<semaphore_mem>>) src(%dma_wait3A_560 : memref<1x128x128xf32, #tpu.memory_space<vmem>>) dst(%dma_wait3A_555 : memref<1x128x128xf32, #tpu.memory_space<hbm>>)
    %dma_wait3A_561 = arith.constant 6 : i32
    %dma_wait3A_562 = arith.constant 6 : i32
    %dma_wait3A_563 = arith.constant 0 : i32
    %dma_wait3A_564 = arith.constant 0 : i32
    %dma_wait3A_565 = arith.constant 0 : i32
    %dma_wait3A_566 = tpu.memref_slice %arg6[%dma_wait3A_561, %dma_wait3A_563, %dma_wait3A_564, %dma_wait3A_565] : memref<7x1x128x128xf32, #tpu.memory_space<vmem>> -> memref<1x1x128x128xf32, #tpu.memory_space<vmem>>
    %dma_wait3A_567 = tpu.memref_squeeze %dma_wait3A_566 : memref<1x1x128x128xf32, #tpu.memory_space<vmem>> -> memref<1x128x128xf32, #tpu.memory_space<vmem>>
    %dma_wait3A_568 = arith.constant 48 : i32
    %dma_wait3A_569 = arith.constant 0 : i32
    %dma_wait3A_570 = tpu.memref_slice %arg4[%dma_wait3A_568, %mul3A_2, %dma_wait3A_569] : memref<50x4096x128xf32, #tpu.memory_space<hbm>> -> memref<1x128x128xf32, #tpu.memory_space<hbm>>
    %dma_wait3A_571 = tpu.memref_slice %arg8[%dma_wait3A_562] : memref<7x!tpu.dma_semaphore, #tpu.memory_space<semaphore_mem>> -> memref<1x!tpu.dma_semaphore, #tpu.memory_space<semaphore_mem>>
    %dma_wait3A_572 = tpu.memref_squeeze %dma_wait3A_571 : memref<1x!tpu.dma_semaphore, #tpu.memory_space<semaphore_mem>> -> memref<!tpu.dma_semaphore, #tpu.memory_space<semaphore_mem>>
    %dma_wait3A_573 = arith.constant 48 : i32
    %dma_wait3A_574 = arith.constant 0 : i32
    %dma_wait3A_575 = tpu.memref_slice %arg4[%dma_wait3A_573, %mul3A_2, %dma_wait3A_574] : memref<50x4096x128xf32, #tpu.memory_space<hbm>> -> memref<1x128x128xf32, #tpu.memory_space<hbm>>
    %dma_wait3A_576 = arith.constant 0 : i32
    %dma_wait3A_577 = arith.constant 0 : i32
    %dma_wait3A_578 = arith.constant 0 : i32
    %dma_wait3A_579 = tpu.memref_slice %arg6[%dma_wait3A_561, %dma_wait3A_576, %dma_wait3A_577, %dma_wait3A_578] : memref<7x1x128x128xf32, #tpu.memory_space<vmem>> -> memref<1x1x128x128xf32, #tpu.memory_space<vmem>>
    %dma_wait3A_580 = tpu.memref_squeeze %dma_wait3A_579 : memref<1x1x128x128xf32, #tpu.memory_space<vmem>> -> memref<1x128x128xf32, #tpu.memory_space<vmem>>
    tpu.wait_dma2 semaphore(%dma_wait3A_572 : memref<!tpu.dma_semaphore, #tpu.memory_space<semaphore_mem>>) src(%dma_wait3A_580 : memref<1x128x128xf32, #tpu.memory_space<vmem>>) dst(%dma_wait3A_575 : memref<1x128x128xf32, #tpu.memory_space<hbm>>)
    %dma_wait3A_581 = arith.constant 0 : i32
    %dma_wait3A_582 = arith.constant 0 : i32
    %dma_wait3A_583 = arith.constant 0 : i32
    %dma_wait3A_584 = arith.constant 0 : i32
    %dma_wait3A_585 = arith.constant 0 : i32
    %dma_wait3A_586 = tpu.memref_slice %arg6[%dma_wait3A_581, %dma_wait3A_583, %dma_wait3A_584, %dma_wait3A_585] : memref<7x1x128x128xf32, #tpu.memory_space<vmem>> -> memref<1x1x128x128xf32, #tpu.memory_space<vmem>>
    %dma_wait3A_587 = tpu.memref_squeeze %dma_wait3A_586 : memref<1x1x128x128xf32, #tpu.memory_space<vmem>> -> memref<1x128x128xf32, #tpu.memory_space<vmem>>
    %dma_wait3A_588 = arith.constant 49 : i32
    %dma_wait3A_589 = arith.constant 0 : i32
    %dma_wait3A_590 = tpu.memref_slice %arg4[%dma_wait3A_588, %mul3A_2, %dma_wait3A_589] : memref<50x4096x128xf32, #tpu.memory_space<hbm>> -> memref<1x128x128xf32, #tpu.memory_space<hbm>>
    %dma_wait3A_591 = tpu.memref_slice %arg8[%dma_wait3A_582] : memref<7x!tpu.dma_semaphore, #tpu.memory_space<semaphore_mem>> -> memref<1x!tpu.dma_semaphore, #tpu.memory_space<semaphore_mem>>
    %dma_wait3A_592 = tpu.memref_squeeze %dma_wait3A_591 : memref<1x!tpu.dma_semaphore, #tpu.memory_space<semaphore_mem>> -> memref<!tpu.dma_semaphore, #tpu.memory_space<semaphore_mem>>
    %dma_wait3A_593 = arith.constant 49 : i32
    %dma_wait3A_594 = arith.constant 0 : i32
    %dma_wait3A_595 = tpu.memref_slice %arg4[%dma_wait3A_593, %mul3A_2, %dma_wait3A_594] : memref<50x4096x128xf32, #tpu.memory_space<hbm>> -> memref<1x128x128xf32, #tpu.memory_space<hbm>>
    %dma_wait3A_596 = arith.constant 0 : i32
    %dma_wait3A_597 = arith.constant 0 : i32
    %dma_wait3A_598 = arith.constant 0 : i32
    %dma_wait3A_599 = tpu.memref_slice %arg6[%dma_wait3A_581, %dma_wait3A_596, %dma_wait3A_597, %dma_wait3A_598] : memref<7x1x128x128xf32, #tpu.memory_space<vmem>> -> memref<1x1x128x128xf32, #tpu.memory_space<vmem>>
    %dma_wait3A_600 = tpu.memref_squeeze %dma_wait3A_599 : memref<1x1x128x128xf32, #tpu.memory_space<vmem>> -> memref<1x128x128xf32, #tpu.memory_space<vmem>>
    tpu.wait_dma2 semaphore(%dma_wait3A_592 : memref<!tpu.dma_semaphore, #tpu.memory_space<semaphore_mem>>) src(%dma_wait3A_600 : memref<1x128x128xf32, #tpu.memory_space<vmem>>) dst(%dma_wait3A_595 : memref<1x128x128xf32, #tpu.memory_space<hbm>>)
    return
  }
}

</mosaic_0001>

<sc_bundles>
// kernel: kernel.3.cloned.1.call-start
scs
__scs_entry_jumppad:
0x0: {  	(pc) =	sbr.rel $0x88, $3  }
0x1: {  	(tag) =	ssettag $0x0;
	lr =	simm.s32 $0x1  }
0x2: {  	[smem:$0x3F9F] =	sst lr;
	_ =	strace $0xD0000000  }
0x3: {  	_ = 	snop  }
0x4: {  	_ = 	snop  }
0x5: {  	_ = 	snop  }
0x6: {  	_ = 	snop  }
0x7: {  	_ = 	snop  }
__scs_overlays_trampoline_lowered:
0x8: {  	[smem:$0x3FAE] =	sst s0  }
0x9: {  	[smem:$0x3FAF] =	sst s1  }
0xa: {  	[smem:$0x3FB0] =	sst s2  }
0xb: {  	[smem:$0x3FB1] =	sst s3  }
0xc: {  	[smem:$0x3FB2] =	sst s4  }
0xd: {  	[smem:$0x3FB3] =	sst s5  }
0xe: {  	[smem:$0x3FB4] =	sst s6  }
0xf: {  	[smem:$0x3FB5] =	sst s7  }
0x10: {  	[smem:$0x3FB6] =	sst s8  }
0x11: {  	[smem:$0x3FB7] =	sst s9;
	s0 =	simm.s32 @!p0 $0x0  }
0x12: {  	s1 =	sld [smem:$0x3F9D];
	s0 =	simm.s32 @p0 $0x1  }
0x13: {  	[smem:$0x3FB8] =	sst s0;
	s0 =	simm.s32 @!p1 $0x0  }
0x14: {  	s2 =	sld [smem:$0x3F9C];
	s0 =	simm.s32 @p1 $0x1  }
0x15: {  	[smem:$0x3FB9] =	sst s0;
	s0 =	simm.s32 @!p2 $0x0  }
0x16: {  	s3 =	sld [smem:$0x3FDB];
	s0 =	simm.s32 @p2 $0x1  }
0x17: {  	s4 =	simm.s32 $0x1BF5;
	[smem:$0x3FBB] =	sst s0  }
0x18: {  	s0 =	sld [smem:$0x3F9E];
	_ =	swait.ge [sflag:s4], $0x0  }
0x19: {  	s7 =	sld [smem:$0x3F9F]  }
0x1a: {  	s8 =	sadd.s32 $0xFFFFE003, lr  }
0x1b: {  	s9 =	sadd.s32 $0xFFFFFEF7, lr;
	s5 =	simm.s32 $0xFFFFFFFF;
	p2 =	slt.u32 s8, $0xFFFFF086  }
0x1c: {  	p1 =	slt.u32 s9, $0xF7A;
	s5 =	simm.s32 @!p2 $0x0  }
0x1d: {  	s5 =	simm.s32 @p1 $0x1;
	p0 =	seq.s32 s7, s2  }
0x1e: {  	s7 =	smul.u32 @!p0 $0xF7A, s2;
	p2 =	seq.s32 @!p0 s5, $0x0  }
0x1f: {  	s9 =	smul.u32 $0xF7A, s1;
	s8 =	simm.s32 @!p0 $0x1BF5;
	p2 =	por !p2, p0  }
0x20: {  	[sflag:s8] =	ssyncset.s32 @!p0 $0xFFFFF086;
	s6 =	sadd.s32 @!p0 s3, s7;
	s7 =	simm.s32 @!p0 $0x108  }
0x21: {  	s3 =	sadd.s32 s3, s9;
	s6 =	sadd.s32 @!p0 $0x88, s6;
	s7 =	simm.s32 @p2 $0x1082  }
0x22: {  	[simem:s7], [sflag:s8] =	dma.local @!p0 [hbm:s6], $0xF7A  }
0x23: {  	s9 =	sor.u32 $0xD0000000, s2;
	s6 =	simm.s32 $0x108;
	_ =	swait.ge @!p0 [sflag:s8], $0x0  }
0x24: {  	s3 =	sadd.s32 $0x88, s3;
	s6 =	simm.s32 @!p1 $0x1082;
	[sflag:s4] =	ssyncset.s32 $0xFFFFF086  }
0x25: {  	[simem:s6], [sflag:s4] =	dma.local [hbm:s3], $0xF7A  }
0x26: {  	[smem:$0x3F9F] =	sst s1;
	(tag) =	ssettag s2;
	_ =	strace s9  }
0x27: {  	s1 =	sld [smem:$0x3FAF]  }
0x28: {  	s2 =	sld [smem:$0x3FB0]  }
0x29: {  	s4 =	sld [smem:$0x3FB2]  }
0x2a: {  	p0 =	seq.s32 s5, $0x0;
	s5 =	sld [smem:$0x3FB3]  }
0x2b: {  	s6 =	sld [smem:$0x3FB4]  }
0x2c: {  	s7 =	sld [smem:$0x3FB5]  }
0x2d: {  	s3 =	simm.s32 $0x108;
	s8 =	sld [smem:$0x3FB6]  }
0x2e: {  	s3 =	simm.s32 @!p0 $0x1082;
	s9 =	sld [smem:$0x3FB7]  }
0x2f: {  	lr =	sadd.s32 s0, s3;
	s0 =	sld [smem:$0x3FAE]  }
0x30: {  	s3 =	sld [smem:$0x3FB1]  }
0x31: {  	[smem:$0x3FBA] =	sst s10  }
0x32: {  	s10 =	sld [smem:$0x3FB8];
	_ =	sdelay $0x3  }
0x33: {  	p0 =	seq.s32 s10, $0x1;
	s10 =	sld [smem:$0x3FBA];
	_ =	sdelay $0x3  }
0x34: {  	[smem:$0x3FBA] =	sst s10  }
0x35: {  	s10 =	sld [smem:$0x3FB9];
	_ =	sdelay $0x3  }
0x36: {  	p1 =	seq.s32 s10, $0x1;
	s10 =	sld [smem:$0x3FBA];
	_ =	sdelay $0x3  }
0x37: {  	[smem:$0x3FBA] =	sst s10  }
0x38: {  	s10 =	sld [smem:$0x3FBB]  }
0x39: {  	_ = 	snop;
	(pc) =	sbr.ind lr, $3  }
0x3a: {  	_ = 	snop  }
0x3b: {  	_ = 	snop  }
0x3c: {  	p2 =	seq.s32 s10, $0x1;
	s10 =	sld [smem:$0x3FBA]  }
0x3d: {  	_ =	shalt  }
0x3e: {  	_ =	shalt  }
0x3f: {  	_ =	shalt  }
0x40: {  	_ =	shalt  }
0x41: {  	_ =	shalt  }
0x42: {  	_ =	shalt  }
0x43: {  	_ =	shalt  }
0x44: {  	_ =	shalt  }
0x45: {  	_ =	shalt  }
0x46: {  	_ =	shalt  }
0x47: {  	_ =	shalt  }
0x48: {  	_ =	shalt  }
0x49: {  	_ =	shalt  }
0x4a: {  	_ =	shalt  }
0x4b: {  	_ =	shalt  }
0x4c: {  	_ =	shalt  }
0x4d: {  	_ =	shalt  }
0x4e: {  	_ =	shalt  }
0x4f: {  	_ =	shalt  }
0x50: {  	_ =	shalt  }
0x51: {  	_ =	shalt  }
0x52: {  	_ =	shalt  }
0x53: {  	_ =	shalt  }
0x54: {  	_ =	shalt  }
0x55: {  	_ =	shalt  }
0x56: {  	_ =	shalt  }
0x57: {  	_ =	shalt  }
0x58: {  	_ =	shalt  }
0x59: {  	_ =	shalt  }
0x5a: {  	_ =	shalt  }
0x5b: {  	_ =	shalt  }
0x5c: {  	_ =	shalt  }
0x5d: {  	_ =	shalt  }
0x5e: {  	_ =	shalt  }
0x5f: {  	_ =	shalt  }
0x60: {  	_ =	shalt  }
0x61: {  	_ =	shalt  }
0x62: {  	_ =	shalt  }
0x63: {  	_ =	shalt  }
0x64: {  	_ =	shalt  }
0x65: {  	_ =	shalt  }
0x66: {  	_ =	shalt  }
0x67: {  	_ =	shalt  }
0x68: {  	_ =	shalt  }
0x69: {  	_ =	shalt  }
0x6a: {  	_ =	shalt  }
0x6b: {  	_ =	shalt  }
0x6c: {  	_ =	shalt  }
0x6d: {  	_ =	shalt  }
0x6e: {  	_ =	shalt  }
0x6f: {  	_ =	shalt  }
0x70: {  	_ =	shalt  }
0x71: {  	_ =	shalt  }
0x72: {  	_ =	shalt  }
0x73: {  	_ =	shalt  }
0x74: {  	_ =	shalt  }
0x75: {  	_ =	shalt  }
0x76: {  	_ =	shalt  }
0x77: {  	_ =	shalt  }
0x78: {  	_ =	shalt  }
0x79: {  	_ =	shalt  }
0x7a: {  	_ =	shalt  }
0x7b: {  	_ =	shalt  }
0x7c: {  	_ =	shalt  }
0x7d: {  	_ =	shalt  }
0x7e: {  	_ =	shalt  }
0x7f: {  	_ =	shalt  }
0x80: {  	_ =	shalt  }
0x81: {  	_ =	shalt  }
0x82: {  	_ =	shalt  }
0x83: {  	_ =	shalt  }
0x84: {  	_ =	shalt  }
0x85: {  	_ =	shalt  }
0x86: {  	_ =	shalt  }
0x87: {  	_ =	shalt  }
.Lfunc_end0:
.L_simem_size_0:
called_computation_lowered:
.L_overlay_start_0:
0x88: {  	s2 =	sld [smem:$0x3FD9]  }
0x89: {  	s3 =	sld [smem:$0x3FFE];
	_ =	sdelay $0x1  }
0x8a: {  	s1 =	srdreg.scid  }
0x8b: {  	s0 =	sand.u32 $0x1, s1  }
0x8c: {  	s18 =	sshll.u32 s0, $0xA;
	s2 =	sadd.s32 s3, s2  }
0x8d: {  	s2 =	sadd.s32 s2, s18  }
0x8e: {  	[smem:$0x3FC6] =	sst s2  }
0x8f: {  	_ = 	snop  }
0x90: {  	s2 =	sld [smem:$0x3FC9]  }
0x91: {  	s19 =	sld [smem:$0x3FC8]  }
0x92: {  	s4 =	sld [smem:$0x3FD0];
	(tm) =	ssettm $0x1  }
0x93: {  	s5 =	sld [smem:$0x3FFB];
	_ =	sdelay $0x3  }
0x94: {  	_ =	strace s5  }
0x95: {  	s5 =	sld [smem:$0x3FFC];
	_ =	sdelay $0x3  }
0x96: {  	_ =	strace s5  }
0x97: {  	s5 =	sld [smem:$0x3FFD];
	_ =	sdelay $0x3  }
0x98: {  	_ =	strace s5  }
0x99: {  	_ =	strace $0x8FFFFFFF  }
0x9a: {  	s20 =	sld [smem:$0x3FDB];
	_ =	sdelay $0x1  }
0x9b: {  	s6 =	simm.s32 $_scs_section_size  }
0x9c: {  	s7 =	simm.s32 $_size__tile_overlayer_lowered;
	s8 =	simm.s32 $_tile_overlayer_lowered  }
0x9d: {  	s23 =	simm.s32 $0x1BFF;
	s22 =	sshll.u32 s8, $0x1;
	s5 =	sadd.s32 s6, s20  }
0x9e: {  	s9 =	simm.s32 $0x0;
	s21 =	sshll.u32 s7, $0x1;
	s7 =	sadd.s32 s22, s5  }
0x9f: {  	[timem:s9], [sflag:s23] =	dma.local [hbm:s7], s21  }
0xa0: {  	_ =	swait.ge [sflag:s23], s21  }
0xa1: {  	s6 =	ssub.s32 $0x0, s21;
	[sflag:s23] =	ssyncset.done $0x0  }
0xa2: {  	[sflag:s23] =	ssyncadd.s32 s6;
	_ =	sdelay $0x1  }
0xa3: {  	s24 =	simm.s32 $0x1B8B  }
0xa4: {  	_ =	swait.ge [sflag:s24], $0x1  }
0xa5: {  	[sflag:s24] =	ssyncset.done $0x0  }
0xa6: {  	s25 =	simm.s32 $0x1B8E;
	[sflag:s24] =	ssyncadd.s32 $0xFFFFFFFF  }
0xa7: {  	s26 =	simm.s32 $execute0_lowered;
	[smem:$0x3FD2] =	sst s25  }
0xa8: {  	s6 =	sshll.u32 s26, $0x1;
	_ =	strace $0x80000046;
	[dreg:$0x1] =	wrdreg $0xFFFFFFFF  }
0xa9: {  	s28 =	simm.s32 $_size_execute0_lowered;
	s5 =	sadd.s32 s5, s6;
	[dreg:$0x0] =	wrdreg $0x0  }
0xaa: {  	s6 =	sshll.u32 s28, $0x1;
	[dreg:$0x2] =	wrdreg s5  }
0xab: {  	[dreg:$0x3] =	wrdreg s6  }
0xac: {  	[dreg:$0x4] =	wrdreg $0xC0  }
0xad: {  	_ =	task [dreg:s9], $0x5FFFF  }
0xae: {  	[dreg:$0x1] =	wrdreg $0xFFFFFFFF  }
0xaf: {  	[dreg:$0x0] =	wrdreg $0x60  }
0xb0: {  	[dreg:$0x2] =	wrdreg s2  }
0xb1: {  	[dreg:$0x3] =	wrdreg s19  }
0xb2: {  	[dreg:$0x4] =	wrdreg s4  }
0xb3: {  	[dreg:$0x5] =	wrdreg $0x9  }
0xb4: {  	_ =	task.clear_ibuf [dreg:s9], $0x6FFFF;
	_ =	strace $0x90000046  }
0xb5: {  	s29 =	simm.s32 $0x9;
	_ =	strace $0x80000048  }
0xb6: {  	_ =	swait.ge [sflag:s29], $0x1  }
0xb7: {  	[sflag:s29] =	ssyncadd.s32 $0xFFFFFFFF  }
0xb8: {  	_ =	strace $0x90000048  }
0xb9: {  	_ =	sfence  }
0xba: {  	s30 =	sld [smem:$0x0];
	_ =	sdelay $0x2  }
0xbb: {  	s31 =	sshll.u32 s1, $0xD;
	s1 =	sshrl.u32 s1, $0x2  }
0xbc: {  	s3 =	sand.u32 $0x4000, s31;
	s1 =	sadd.s32 s1, s30  }
0xbd: {  	s0 =	sor.u32 s3, s0;
	s1 =	sshll.u32 s1, $0x11  }
0xbe: {  	s0 =	sor.u32 s1, s0  }
0xbf: {  	s0 =	sadd.s32 $0x8F2B, s0  }
0xc0: {  	[sflag:s0] =	ssyncadd.remote.s32 $0x1  }
0xc1: {  	_ =	sfence.sel $0xFFFF  }
0xc2: {  	[dreg:$0x0] =	wrdreg $0xFFFFFFFF;
	(pc) =	sbr.abs _section_cstart, $3  }
0xc3: {  	[dreg:$0x1] =	wrdreg $0xFFFFFFFF  }
0xc4: {  	_ =	task.clear_ibuf [dreg:s9], $0x2FFFF;
	_ =	strace $0x9FFFFFFF  }
0xc5: {  	(tm) =	ssettm $0x7FFFFFFF  }
tec
execute0_lowered:
.L_overlay_start_1:
0x0: {  	(tag) =	ssettag $0x1  }
0x1: {  	s0 =	rddreg [dreg:$0x0]  }
0x2: {  	s2 =	rddreg [dreg:$0x1]  }
0x3: {  	s17 =	rddreg [dreg:$0x2]  }
0x4: {  	s1 =	srdreg.scid;
	s8 =	stileid.u32  }
0x5: {  	s4 =	simm.s32 $0x0;
	s29 =	simm.s32 $0x80;
	s28 =	simm.s32 $0x2  }
0x6: {  	s1 =	sand.u32 $0x1, s1;
	s3 =	sshll.u32 s8, $0x8;
	[smem:$0x7FF] =	sst s4  }
0x7: {  	s16 =	sshll.u32 s8, $0xF;
	s5 =	sshll.u32 s1, $0x7;
	s6 =	ssub.s32 $0x2, s1  }
0x8: {  	_ =	strace $0x80000047;
	s3 =	sor.u32 s5, s3;
	s31 =	sshrl.u32 s6, $0x1  }
0x9: {  	s1 =	sshll.u32 s1, $0xE;
	s7 =	sshll.u32 s3, $0x4;
	s5 =	ssub.s32 s6, s31  }
0xa: {  	s0 =	sadd.s32 s0, s3;
	s6 =	simm.s32 $0x7;
	s7 =	sadd.s32 s17, s7  }
0xb: {  	[dreg:$0x4] =	wrdreg s0;
	s9 =	sadd.s32 $0x1000, s0;
	s18 =	smax.u32 s5, $0x1  }
0xc: {  	s0 =	sor.u32 s1, s16;
	s16 =	simm.s32 $0xE;
	[dreg:$0x5] =	wrdreg s7  }
0xd: {  	s10 =	sadd.s32 $0x10000, s7;
	s11 =	sadd.s32 $0x2C0000, s7;
	[dreg:$0xe] =	wrdreg s18  }
0xe: {  	s12 =	sadd.s32 $0x2D0000, s7;
	s13 =	sadd.s32 $0x2E0000, s7;
	[dreg:$0x6] =	wrdreg s9  }
0xf: {  	s14 =	sadd.s32 $0x2F0000, s7;
	s15 =	sadd.s32 $0x300000, s7;
	[dreg:$0x7] =	wrdreg s10  }
0x10: {  	s3 =	sadd.s32 $0x310000, s7;
	s1 =	sor.u32 $0x300000, s0;
	[dreg:$0x8] =	wrdreg s11  }
0x11: {  	s19 =	sor.u32 $0x280000, s0;
	s20 =	sor.u32 $0x200000, s0;
	[dreg:$0x9] =	wrdreg s12  }
0x12: {  	s23 =	sor.u32 $0x180000, s0;
	s24 =	sor.u32 $0x100000, s0;
	[dreg:$0xa] =	wrdreg s13  }
0x13: {  	s25 =	sor.u32 $0x400000, s0;
	s0 =	sor.u32 $0x380000, s0;
	[dreg:$0xb] =	wrdreg s14  }
0x14: {  	s31 =	sadd.s32 $0x5000, s9;
	s9 =	simm.s32 $0x5C00;
	[dreg:$0xc] =	wrdreg s15  }
0x15: {  	s7 =	simm.s32 $0x6;
	[dreg:$0xd] =	wrdreg s3;
	s1 =	sshrl.u32 s1, $0x3  }
0x16: {  	s3 =	sshrl.u32 s19, $0x3;
	s5 =	sshrl.u32 s20, $0x3;
	[dreg:$0x15] =	wrdreg s0  }
0x17: {  	[dreg:$0x16] =	wrdreg s31;
	s14 =	simm.s32 $0x9;
	s15 =	simm.s32 $0xA  }
0x18: {  	s10 =	simm.s32 $0xD;
	s0 =	simm.s32 $0x0;
	s1 =	sadd.s32 s1, s17  }
0x19: {  	s21 =	sadd.s32 s3, s17;
	s22 =	sadd.s32 s5, s17;
	[dreg:$0xf] =	wrdreg s1  }
0x1a: {  	s3 =	sshrl.u32 s24, $0x3;
	s5 =	sshrl.u32 s25, $0x3;
	[dreg:$0x10] =	wrdreg s21  }
0x1b: {  	s24 =	simm.s32 $0x9C00;
	[dreg:$0x11] =	wrdreg s22;
	s26 =	sadd.s32 s3, s17  }
0x1c: {  	s1 =	sshrl.u32 s23, $0x3;
	s30 =	sadd.s32 s5, s17;
	[dreg:$0x13] =	wrdreg s26  }
0x1d: {  	s5 =	simm.s32 $0x5;
	s1 =	sadd.s32 s1, s17;
	[dreg:$0x14] =	wrdreg s30  }
0x1e: {  	s23 =	simm.s32 $0xC;
	s26 =	simm.s32 $0xB;
	[dreg:$0x12] =	wrdreg s1  }
.LBB2_1:
0x1f: {  	[dreg:$0x17] =	wrdreg s0  }
0x20: {  	s13 =	rddreg [dreg:$0x4];
	s18 =	simm.s32 $0x10  }
0x21: {  	[tilespmem:s4], [sflag:$0x10] =	stream.linear.gather [hbm4b:s13+s4], $0x400, $0x38;
	[tilespmem:$0x1DC00] =	vst v63  }
0x22: {  	_ =	swait.ge [sflag:s18], $0x400  }
0x23: {  	s1 =	simm.s32 $0x8000;
	[sflag:s18] =	ssyncset.done $0x0  }
0x24: {  	s3 =	simm.s32 $0x400;
	s19 =	rddreg [dreg:$0x6];
	[sflag:s18] =	ssyncadd.s32 $0xFFFFFC00  }
0x25: {  	[tilespmem:s3], [sflag:$0xF] =	stream.strided.gather [hbm4b:s19+s3], $0x1400, s1, s3, $0x38;
	[tilespmem:$0x1DC00] =	vst v63  }
0x26: {  	s21 =	simm.s32 $0x1800;
	s20 =	rddreg [dreg:$0x16]  }
0x27: {  	[tilespmem:s21], [sflag:$0xF] =	stream.linear.gather [hbm4b:s20+s4], $0x100, $0x38;
	[tilespmem:$0x1DC00] =	vst v63  }
0x28: {  	s18 =	simm.s32 $0x1C00  }
0x29: {  	[tilespmem:s18], [sflag:$0x1] =	stream.indirect.gather [hbm4b:s2+s29], $0x80, s4, s29, $0xb8;
	[tilespmem:$0x1DC00] =	vst v63  }
0x2a: {  	_ = 	snop  }
0x2b: {  	[tilespmem:s9], [sflag:$0x2] =	stream.indirect.gather [hbm4b:s2+s29], $0x80, s29, s29, $0xb8;
	[tilespmem:$0x1DC00] =	vst v63  }
0x2c: {  	s22 =	simm.s32 $0x100;
	s3 =	simm.s32 $0x9C00  }
0x2d: {  	[tilespmem:s3], [sflag:$0x3] =	stream.indirect.gather [hbm4b:s2+s29], $0x80, s22, s29, $0xb8;
	[tilespmem:$0x1DC00] =	vst v63  }
0x2e: {  	s25 =	simm.s32 $0x180;
	s8 =	simm.s32 $0xDC00  }
0x2f: {  	[tilespmem:s8], [sflag:$0x4] =	stream.indirect.gather [hbm4b:s2+s29], $0x80, s25, s29, $0xb8;
	[tilespmem:$0x1DC00] =	vst v63  }
0x30: {  	s31 =	simm.s32 $0x200;
	s11 =	simm.s32 $0x11C00;
	s12 =	simm.s32 $0x1  }
0x31: {  	[tilespmem:s11], [sflag:$0x5] =	stream.indirect.gather [hbm4b:s2+s29], $0x80, s31, s29, $0xb8;
	[tilespmem:$0x1DC00] =	vst v63  }
0x32: {  	_ =	swait.ge [sflag:s12], $0x4000  }
0x33: {  	[sflag:s12] =	ssyncset.done $0x0  }
0x34: {  	s1 =	rddreg [dreg:$0x5];
	[sflag:s12] =	ssyncadd.s32 $0xFFFFC000  }
0x35: {  	[hbm4b:s1+s4] =	stream.linear.scatter [tilespmem:s18], [sflag:$0x8], $0x4000, $0x38;
	[tilespmem:$0x1DC00] =	vst v63  }
0x36: {  	s13 =	simm.s32 $0x280;
	s20 =	simm.s32 $0x15C00  }
0x37: {  	[tilespmem:s20], [sflag:$0x6] =	stream.indirect.gather [hbm4b:s2+s29], $0x80, s13, s29, $0xb8;
	[tilespmem:$0x1DC00] =	vst v63  }
0x38: {  	_ =	swait.ge [sflag:s28], $0x4000  }
0x39: {  	[sflag:s28] =	ssyncset.done $0x0  }
0x3a: {  	s19 =	rddreg [dreg:$0x7];
	[sflag:s28] =	ssyncadd.s32 $0xFFFFC000  }
0x3b: {  	[hbm4b:s19+s4] =	stream.linear.scatter [tilespmem:s9], [sflag:$0x9], $0x4000, $0x38;
	[tilespmem:$0x1DC00] =	vst v63  }
0x3c: {  	s21 =	simm.s32 $0x300;
	s22 =	simm.s32 $0xF;
	s13 =	simm.s32 $0x19C00  }
0x3d: {  	[tilespmem:s13], [sflag:$0x7] =	stream.indirect.gather [hbm4b:s2+s29], $0x80, s21, s29, $0xb8;
	[tilespmem:$0x1DC00] =	vst v63  }
0x3e: {  	_ =	swait.ge [sflag:s22], $0x1500  }
0x3f: {  	[sflag:s22] =	ssyncset.done $0x0  }
0x40: {  	s25 =	simm.s32 $0x3;
	[sflag:s22] =	ssyncadd.s32 $0xFFFFEB00  }
0x41: {  	_ =	swait.ge [sflag:s25], $0x4000  }
0x42: {  	[sflag:s25] =	ssyncset.done $0x0  }
0x43: {  	s31 =	simm.s32 $0x8;
	s22 =	rddreg [dreg:$0x13];
	[sflag:s25] =	ssyncadd.s32 $0xFFFFC000  }
0x44: {  	[hbm4b:s22+s4] =	stream.linear.scatter [tilespmem:s3], [sflag:$0xA], $0x4000, $0x38;
	[tilespmem:$0x1DC00] =	vst v63  }
0x45: {  	_ =	swait.ge [sflag:s31], $0x4000  }
0x46: {  	[sflag:s31] =	ssyncset.done $0x0  }
0x47: {  	s0 =	simm.s32 $0x380;
	s19 =	simm.s32 $0x4;
	[sflag:s31] =	ssyncadd.s32 $0xFFFFC000  }
0x48: {  	[tilespmem:s18], [sflag:$0x1] =	stream.indirect.gather [hbm4b:s2+s29], $0x80, s0, s29, $0xb8;
	[tilespmem:$0x1DC00] =	vst v63  }
0x49: {  	_ =	swait.ge [sflag:s19], $0x4000  }
0x4a: {  	[sflag:s19] =	ssyncset.done $0x0  }
0x4b: {  	s0 =	rddreg [dreg:$0x12];
	[sflag:s19] =	ssyncadd.s32 $0xFFFFC000  }
0x4c: {  	[hbm4b:s0+s4] =	stream.linear.scatter [tilespmem:s8], [sflag:$0xB], $0x4000, $0x38;
	[tilespmem:$0x1DC00] =	vst v63  }
0x4d: {  	_ =	swait.ge [sflag:s14], $0x4000  }
0x4e: {  	[sflag:s14] =	ssyncset.done $0x0  }
0x4f: {  	s21 =	simm.s32 $0x400;
	[sflag:s14] =	ssyncadd.s32 $0xFFFFC000  }
0x50: {  	[tilespmem:s9], [sflag:$0x2] =	stream.indirect.gather [hbm4b:s2+s29], $0x80, s21, s29, $0xb8;
	[tilespmem:$0x1DC00] =	vst v63  }
0x51: {  	_ =	swait.ge [sflag:s5], $0x4000  }
0x52: {  	[sflag:s5] =	ssyncset.done $0x0  }
0x53: {  	s30 =	rddreg [dreg:$0x11];
	[sflag:s5] =	ssyncadd.s32 $0xFFFFC000  }
0x54: {  	[hbm4b:s30+s4] =	stream.linear.scatter [tilespmem:s11], [sflag:$0xC], $0x4000, $0x38;
	[tilespmem:$0x1DC00] =	vst v63  }
0x55: {  	_ =	swait.ge [sflag:s15], $0x4000  }
0x56: {  	[sflag:s15] =	ssyncset.done $0x0  }
0x57: {  	s25 =	simm.s32 $0x480;
	[sflag:s15] =	ssyncadd.s32 $0xFFFFC000  }
0x58: {  	[tilespmem:s3], [sflag:$0x3] =	stream.indirect.gather [hbm4b:s2+s29], $0x80, s25, s29, $0xb8;
	[tilespmem:$0x1DC00] =	vst v63  }
0x59: {  	_ =	swait.ge [sflag:s7], $0x4000  }
0x5a: {  	[sflag:s7] =	ssyncset.done $0x0  }
0x5b: {  	s3 =	rddreg [dreg:$0x10];
	[sflag:s7] =	ssyncadd.s32 $0xFFFFC000  }
0x5c: {  	[hbm4b:s3+s4] =	stream.linear.scatter [tilespmem:s20], [sflag:$0xD], $0x4000, $0x38;
	[tilespmem:$0x1DC00] =	vst v63  }
0x5d: {  	_ =	swait.ge [sflag:s26], $0x4000  }
0x5e: {  	[sflag:s26] =	ssyncset.done $0x0  }
0x5f: {  	s31 =	simm.s32 $0x500;
	[sflag:s26] =	ssyncadd.s32 $0xFFFFC000  }
0x60: {  	[tilespmem:s8], [sflag:$0x4] =	stream.indirect.gather [hbm4b:s2+s29], $0x80, s31, s29, $0xb8;
	[tilespmem:$0x1DC00] =	vst v63  }
0x61: {  	_ =	swait.ge [sflag:s6], $0x4000  }
0x62: {  	[sflag:s6] =	ssyncset.done $0x0  }
0x63: {  	s25 =	rddreg [dreg:$0xf];
	[sflag:s6] =	ssyncadd.s32 $0xFFFFC000  }
0x64: {  	[hbm4b:s25+s4] =	stream.linear.scatter [tilespmem:s13], [sflag:$0xE], $0x4000, $0x38;
	[tilespmem:$0x1DC00] =	vst v63  }
0x65: {  	_ =	swait.ge [sflag:s23], $0x4000  }
0x66: {  	[sflag:s23] =	ssyncset.done $0x0  }
0x67: {  	s8 =	simm.s32 $0x580;
	[sflag:s23] =	ssyncadd.s32 $0xFFFFC000  }
0x68: {  	[tilespmem:s11], [sflag:$0x5] =	stream.indirect.gather [hbm4b:s2+s29], $0x80, s8, s29, $0xb8;
	[tilespmem:$0x1DC00] =	vst v63  }
0x69: {  	_ =	swait.ge [sflag:s12], $0x4000  }
0x6a: {  	s19 =	rddreg [dreg:$0x15]  }
0x6b: {  	[sflag:s12] =	ssyncset.done $0x0;
	s13 =	sshrl.u32 s19, $0x3  }
0x6c: {  	[sflag:s12] =	ssyncadd.s32 $0xFFFFC000;
	s1 =	sadd.s32 s17, s13  }
0x6d: {  	[hbm4b:s1+s4] =	stream.linear.scatter [tilespmem:s18], [sflag:$0x8], $0x4000, $0x38;
	[tilespmem:$0x1DC00] =	vst v63  }
0x6e: {  	_ =	swait.ge [sflag:s10], $0x4000  }
0x6f: {  	[sflag:s10] =	ssyncset.done $0x0  }
0x70: {  	s21 =	simm.s32 $0x600;
	[sflag:s10] =	ssyncadd.s32 $0xFFFFC000  }
0x71: {  	[tilespmem:s20], [sflag:$0x6] =	stream.indirect.gather [hbm4b:s2+s29], $0x80, s21, s29, $0xb8;
	[tilespmem:$0x1DC00] =	vst v63  }
0x72: {  	s22 =	sadd.s32 $0x70000, s22;
	_ =	swait.ge [sflag:s28], $0x4000  }
0x73: {  	s19 =	sadd.s32 $0x380000, s19;
	s17 =	sadd.s32 $0x70000, s3;
	[sflag:s28] =	ssyncset.done $0x0  }
0x74: {  	s3 =	sadd.s32 $0x70000, s30;
	s31 =	rddreg [dreg:$0x14];
	[sflag:s28] =	ssyncadd.s32 $0xFFFFC000  }
0x75: {  	[hbm4b:s31+s4] =	stream.linear.scatter [tilespmem:s9], [sflag:$0x9], $0x4000, $0x38;
	[tilespmem:$0x1DC00] =	vst v63  }
0x76: {  	s30 =	sadd.s32 $0x70000, s25;
	s18 =	simm.s32 $0xE00;
	_ =	swait.ge [sflag:s16], $0x4000  }
0x77: {  	s1 =	simm.s32 $0x680;
	s21 =	sadd.s32 $0x70000, s0;
	[sflag:s16] =	ssyncset.done $0x0  }
0x78: {  	s20 =	sadd.s32 $0x70000, s31;
	s9 =	simm.s32 $0x5C00;
	[sflag:s16] =	ssyncadd.s32 $0xFFFFC000  }
.LBB2_2:
0x79: {  	s13 =	simm.s32 $0x19C00;
	s0 =	simm.s32 $0x3  }
0x7a: {  	[tilespmem:s13], [sflag:$0x7] =	stream.indirect.gather [hbm4b:s2+s29], $0x80, s1, s29, $0xb8;
	[tilespmem:$0x1DC00] =	vst v63  }
0x7b: {  	_ =	swait.ge [sflag:s0], $0x4000  }
0x7c: {  	[sflag:s0] =	ssyncset.done $0x0  }
0x7d: {  	s8 =	simm.s32 $0x9C00;
	s25 =	simm.s32 $0x8;
	[sflag:s0] =	ssyncadd.s32 $0xFFFFC000  }
0x7e: {  	[hbm4b:s22+s4] =	stream.linear.scatter [tilespmem:s8], [sflag:$0xA], $0x4000, $0x38;
	[tilespmem:$0x1DC00] =	vst v63  }
0x7f: {  	s12 =	smov.u32 s18;
	_ =	swait.ge [sflag:s25], $0x4000  }
0x80: {  	s28 =	simm.s32 $0x1C00;
	s1 =	sshra.s32 s12, $0x2;
	[sflag:s25] =	ssyncset.done $0x0  }
0x81: {  	s11 =	simm.s32 $0x4;
	[sflag:s25] =	ssyncadd.s32 $0xFFFFC000;
	s25 =	sadd.s32 $0x380, s1  }
0x82: {  	[tilespmem:s28], [sflag:$0x1] =	stream.indirect.gather [hbm4b:s2+s29], $0x80, s25, s29, $0xb8;
	[tilespmem:$0x1DC00] =	vst v63  }
0x83: {  	_ =	swait.ge [sflag:s11], $0x4000  }
0x84: {  	[sflag:s11] =	ssyncset.done $0x0  }
0x85: {  	[sflag:s11] =	ssyncadd.s32 $0xFFFFC000;
	s11 =	simm.s32 $0xDC00  }
0x86: {  	[hbm4b:s21+s4] =	stream.linear.scatter [tilespmem:s11], [sflag:$0xB], $0x4000, $0x38;
	[tilespmem:$0x1DC00] =	vst v63  }
0x87: {  	_ =	swait.ge [sflag:s14], $0x4000  }
0x88: {  	[sflag:s14] =	ssyncset.done $0x0  }
0x89: {  	s12 =	sadd.s32 $0x400, s1;
	[sflag:s14] =	ssyncadd.s32 $0xFFFFC000  }
0x8a: {  	[tilespmem:s9], [sflag:$0x2] =	stream.indirect.gather [hbm4b:s2+s29], $0x80, s12, s29, $0xb8;
	[tilespmem:$0x1DC00] =	vst v63  }
0x8b: {  	_ =	swait.ge [sflag:s5], $0x4000  }
0x8c: {  	[sflag:s5] =	ssyncset.done $0x0  }
0x8d: {  	s12 =	simm.s32 $0x11C00;
	[sflag:s5] =	ssyncadd.s32 $0xFFFFC000  }
0x8e: {  	[hbm4b:s3+s4] =	stream.linear.scatter [tilespmem:s12], [sflag:$0xC], $0x4000, $0x38;
	[tilespmem:$0x1DC00] =	vst v63  }
0x8f: {  	_ =	swait.ge [sflag:s15], $0x4000  }
0x90: {  	[sflag:s15] =	ssyncset.done $0x0  }
0x91: {  	s0 =	sadd.s32 $0x480, s1;
	[sflag:s15] =	ssyncadd.s32 $0xFFFFC000  }
0x92: {  	[tilespmem:s8], [sflag:$0x3] =	stream.indirect.gather [hbm4b:s2+s29], $0x80, s0, s29, $0xb8;
	[tilespmem:$0x1DC00] =	vst v63  }
0x93: {  	_ =	swait.ge [sflag:s7], $0x4000  }
0x94: {  	[sflag:s7] =	ssyncset.done $0x0  }
0x95: {  	s0 =	simm.s32 $0x15C00;
	[sflag:s7] =	ssyncadd.s32 $0xFFFFC000  }
0x96: {  	[hbm4b:s17+s4] =	stream.linear.scatter [tilespmem:s0], [sflag:$0xD], $0x4000, $0x38;
	[tilespmem:$0x1DC00] =	vst v63  }
0x97: {  	_ =	swait.ge [sflag:s26], $0x4000  }
0x98: {  	[sflag:s26] =	ssyncset.done $0x0  }
0x99: {  	s25 =	sadd.s32 $0x500, s1;
	[sflag:s26] =	ssyncadd.s32 $0xFFFFC000  }
0x9a: {  	[tilespmem:s11], [sflag:$0x4] =	stream.indirect.gather [hbm4b:s2+s29], $0x80, s25, s29, $0xb8;
	[tilespmem:$0x1DC00] =	vst v63  }
0x9b: {  	_ =	swait.ge [sflag:s6], $0x4000  }
0x9c: {  	[sflag:s6] =	ssyncset.done $0x0  }
0x9d: {  	[sflag:s6] =	ssyncadd.s32 $0xFFFFC000  }
0x9e: {  	[hbm4b:s30+s4] =	stream.linear.scatter [tilespmem:s13], [sflag:$0xE], $0x4000, $0x38;
	[tilespmem:$0x1DC00] =	vst v63  }
0x9f: {  	_ =	swait.ge [sflag:s23], $0x4000  }
0xa0: {  	[sflag:s23] =	ssyncset.done $0x0  }
0xa1: {  	s25 =	simm.s32 $0x1;
	s13 =	sadd.s32 $0x580, s1;
	[sflag:s23] =	ssyncadd.s32 $0xFFFFC000  }
0xa2: {  	[tilespmem:s12], [sflag:$0x5] =	stream.indirect.gather [hbm4b:s2+s29], $0x80, s13, s29, $0xb8;
	[tilespmem:$0x1DC00] =	vst v63  }
0xa3: {  	_ =	swait.ge [sflag:s25], $0x4000  }
0xa4: {  	[sflag:s25] =	ssyncset.done $0x0  }
0xa5: {  	[sflag:s25] =	ssyncadd.s32 $0xFFFFC000  }
0xa6: {  	s13 =	sshrl.u32 s19, $0x3;
	s12 =	rddreg [dreg:$0x2]  }
0xa7: {  	s25 =	sadd.s32 s12, s13  }
0xa8: {  	[hbm4b:s25+s4] =	stream.linear.scatter [tilespmem:s28], [sflag:$0x8], $0x4000, $0x38;
	[tilespmem:$0x1DC00] =	vst v63  }
0xa9: {  	s31 =	smov.u32 s20;
	_ =	swait.ge [sflag:s10], $0x4000  }
0xaa: {  	p0 =	sne.s32 s18, $0x4600;
	s18 =	sadd.s32 $0xE00, s18;
	[sflag:s10] =	ssyncset.done $0x0  }
0xab: {  	s13 =	sadd.s32 $0x600, s1;
	s28 =	simm.s32 $0x2;
	[sflag:s10] =	ssyncadd.s32 $0xFFFFC000  }
0xac: {  	[tilespmem:s0], [sflag:$0x6] =	stream.indirect.gather [hbm4b:s2+s29], $0x80, s13, s29, $0xb8;
	[tilespmem:$0x1DC00] =	vst v63  }
0xad: {  	s20 =	sadd.s32 $0x70000, s20;
	s22 =	sadd.s32 $0x70000, s22;
	_ =	swait.ge [sflag:s28], $0x4000  }
0xae: {  	s21 =	sadd.s32 $0x70000, s21;
	s3 =	sadd.s32 $0x70000, s3;
	[sflag:s28] =	ssyncset.done $0x0  }
.Ltmp0:
0xaf: {  	s8 =	simm.s32 $0xDC00;
	[sflag:s28] =	ssyncadd.s32 $0xFFFFC000;
	(pc) =	sbr.rel @p0 .LBB2_2-.Ltmp0, $4  }
0xb0: {  	[hbm4b:s31+s4] =	stream.linear.scatter [tilespmem:s9], [sflag:$0x9], $0x4000, $0x38;
	[tilespmem:$0x1DC00] =	vst v63  }
0xb1: {  	s17 =	sadd.s32 $0x70000, s17;
	s11 =	simm.s32 $0x11C00;
	_ =	swait.ge [sflag:s16], $0x4000  }
0xb2: {  	s30 =	sadd.s32 $0x70000, s30;
	s19 =	sadd.s32 $0x380000, s19;
	[sflag:s16] =	ssyncset.done $0x0  }
0xb3: {  	s12 =	simm.s32 $0x15C00;
	s1 =	sadd.s32 $0x680, s1;
	[sflag:s16] =	ssyncadd.s32 $0xFFFFC000  }
0xb4: {  	s0 =	simm.s32 $0x19C00;
	s3 =	simm.s32 $0x3  }
0xb5: {  	[tilespmem:s0], [sflag:$0x7] =	stream.indirect.gather [hbm4b:s2+s29], $0x80, s1, s29, $0xb8;
	[tilespmem:$0x1DC00] =	vst v63  }
0xb6: {  	_ =	swait.ge [sflag:s3], $0x4000  }
0xb7: {  	[sflag:s3] =	ssyncset.done $0x0  }
0xb8: {  	s9 =	rddreg [dreg:$0x8];
	[sflag:s3] =	ssyncadd.s32 $0xFFFFC000  }
0xb9: {  	[hbm4b:s9+s4] =	stream.linear.scatter [tilespmem:s24], [sflag:$0xA], $0x4000, $0x38;
	[tilespmem:$0x1DC00] =	vst v63  }
0xba: {  	s9 =	simm.s32 $0x8  }
0xbb: {  	_ =	swait.ge [sflag:s9], $0x4000  }
0xbc: {  	s13 =	simm.s32 $0x1880;
	[sflag:s9] =	ssyncset.done $0x0  }
0xbd: {  	s17 =	simm.s32 $0x4;
	s3 =	simm.s32 $0x1C00;
	[sflag:s9] =	ssyncadd.s32 $0xFFFFC000  }
0xbe: {  	[tilespmem:s3], [sflag:$0x1] =	stream.indirect.gather [hbm4b:s2+s29], $0x80, s13, s29, $0xb8;
	[tilespmem:$0x1DC00] =	vst v63  }
0xbf: {  	_ =	swait.ge [sflag:s17], $0x4000  }
0xc0: {  	[sflag:s17] =	ssyncset.done $0x0  }
0xc1: {  	s18 =	rddreg [dreg:$0x9];
	[sflag:s17] =	ssyncadd.s32 $0xFFFFC000  }
0xc2: {  	[hbm4b:s18+s4] =	stream.linear.scatter [tilespmem:s8], [sflag:$0xB], $0x4000, $0x38;
	[tilespmem:$0x1DC00] =	vst v63  }
0xc3: {  	_ =	swait.ge [sflag:s5], $0x4000  }
0xc4: {  	[sflag:s5] =	ssyncset.done $0x0  }
0xc5: {  	s19 =	rddreg [dreg:$0xa];
	[sflag:s5] =	ssyncadd.s32 $0xFFFFC000  }
0xc6: {  	[hbm4b:s19+s4] =	stream.linear.scatter [tilespmem:s11], [sflag:$0xC], $0x4000, $0x38;
	[tilespmem:$0x1DC00] =	vst v63  }
0xc7: {  	_ =	swait.ge [sflag:s7], $0x4000  }
0xc8: {  	[sflag:s7] =	ssyncset.done $0x0  }
0xc9: {  	s20 =	rddreg [dreg:$0xb];
	[sflag:s7] =	ssyncadd.s32 $0xFFFFC000  }
0xca: {  	[hbm4b:s20+s4] =	stream.linear.scatter [tilespmem:s12], [sflag:$0xD], $0x4000, $0x38;
	[tilespmem:$0x1DC00] =	vst v63  }
0xcb: {  	_ =	swait.ge [sflag:s6], $0x4000  }
0xcc: {  	[sflag:s6] =	ssyncset.done $0x0  }
0xcd: {  	s22 =	simm.s32 $0x1;
	s21 =	rddreg [dreg:$0xc];
	[sflag:s6] =	ssyncadd.s32 $0xFFFFC000  }
0xce: {  	[hbm4b:s21+s4] =	stream.linear.scatter [tilespmem:s0], [sflag:$0xE], $0x4000, $0x38;
	[tilespmem:$0x1DC00] =	vst v63  }
0xcf: {  	_ =	swait.ge [sflag:s22], $0x4000  }
0xd0: {  	[sflag:s22] =	ssyncset.done $0x0  }
0xd1: {  	s25 =	rddreg [dreg:$0xd];
	[sflag:s22] =	ssyncadd.s32 $0xFFFFC000  }
0xd2: {  	[hbm4b:s25+s4] =	stream.linear.scatter [tilespmem:s3], [sflag:$0x8], $0x4000, $0x38;
	[tilespmem:$0x1DC00] =	vst v63  }
0xd3: {  	_ =	swait.ge [sflag:s14], $0x4000  }
0xd4: {  	[sflag:s14] =	ssyncset.done $0x0  }
0xd5: {  	[sflag:s14] =	ssyncadd.s32 $0xFFFFC000  }
0xd6: {  	_ =	swait.ge [sflag:s15], $0x4000  }
0xd7: {  	[sflag:s15] =	ssyncset.done $0x0  }
0xd8: {  	[sflag:s15] =	ssyncadd.s32 $0xFFFFC000  }
0xd9: {  	_ =	swait.ge [sflag:s26], $0x4000  }
0xda: {  	[sflag:s26] =	ssyncset.done $0x0  }
0xdb: {  	[sflag:s26] =	ssyncadd.s32 $0xFFFFC000  }
0xdc: {  	_ =	swait.ge [sflag:s23], $0x4000  }
0xdd: {  	[sflag:s23] =	ssyncset.done $0x0  }
0xde: {  	[sflag:s23] =	ssyncadd.s32 $0xFFFFC000  }
0xdf: {  	_ =	swait.ge [sflag:s10], $0x4000  }
0xe0: {  	[sflag:s10] =	ssyncset.done $0x0  }
0xe1: {  	[sflag:s10] =	ssyncadd.s32 $0xFFFFC000  }
0xe2: {  	_ =	swait.ge [sflag:s16], $0x4000  }
0xe3: {  	[sflag:s16] =	ssyncset.done $0x0  }
0xe4: {  	[sflag:s16] =	ssyncadd.s32 $0xFFFFC000  }
0xe5: {  	_ =	swait.ge [sflag:s9], $0x4000  }
0xe6: {  	s30 =	rddreg [dreg:$0x17]  }
0xe7: {  	s31 =	rddreg [dreg:$0xe];
	s0 =	sadd.s32 $0x1, s30  }
0xe8: {  	p0 =	sne.s32 s0, s31  }
.Ltmp1:
0xe9: {  	_ = 	snop;
	(pc) =	sbr.rel @p0 .LBB2_1-.Ltmp1, $4  }
0xea: {  	_ = 	snop  }
0xeb: {  	[sflag:s9] =	ssyncset.done $0x0  }
0xec: {  	[sflag:s9] =	ssyncadd.s32 $0xFFFFC000  }
0xed: {  	s9 =	simm.s32 $0x5C00;
	s17 =	rddreg [dreg:$0x2]  }
0xee: {  	_ =	sfence.sel $0x180000  }
0xef: {  	[bflag:$0x0] =	sbarrier.arrive $0xFFFF  }
0xf0: {  	_ =	strace $0x90000047  }
0xf1: {  	s0 =	stileid.u32;
	[bflag:$0x2] =	sbarrier.arrive $0xFFFF  }
0xf2: {  	p0 =	sne.s32 s0, $0x0;
	s0 =	rddreg [dreg:$0x3]  }
0xf3: {  	s0 =	sadd.s32 @!p0 $0x100000, s0  }
0xf4: {  	[sflag:s0] =	ssyncadd.tile.s32 @!p0 $0x1;
	_ =	shalt  }
.Lfunc_end2:
_tile_overlayer_lowered:
.L_overlay_start_2:
0xf5: {  	(tag) =	ssettag $0x2  }
0xf6: {  	s0 =	rddreg [dreg:$0x0];
	s2 =	stileid.u32  }
0xf7: {  	s1 =	rddreg [dreg:$0x1];
	p0 =	sne.s32 s2, $0x0  }
0xf8: {  	s3 =	rddreg [dreg:$0x2];
	[bflag:$0x3] =	sbarrier.arrive $0xFFFF;
	s2 =	simm.s32 @!p0 $0x1C10  }
0xf9: {  	[timem:s3], [sflag:s2] =	dma.local @!p0 [hbm:s0], s1  }
0xfa: {  	s0 =	simm.s32 @!p0 $0x10  }
0xfb: {  	_ =	swait.ge @!p0 [sflag:s0], s1  }
0xfc: {  	s1 =	ssub.s32 @!p0 $0x0, s1;
	[sflag:s0] =	ssyncset.done @!p0 $0x0  }
0xfd: {  	[sflag:s0] =	ssyncadd.s32 @!p0 s1  }
0xfe: {  	[bflag:$0x3] =	sbarrier.arrive $0xFFFF  }
0xff: {  	_ =	shalt  }

</sc_bundles>
